<compile_context>
chip_gen: v7x
topology: tpu7x:2x2x1
jax: 0.10.2.dev20260603
libtpu: 0.0.44.dev20260713+nightly
codegen_flags: <defaults>
</compile_context>

<pallas_src>
import functools

import jax
import jax.numpy as jnp
from jax import lax
from jax.experimental import pallas as pl
from jax.experimental.pallas import tpu as pltpu
from jax.experimental.pallas import tpu_sc as plsc

_LANES = 16


@functools.lru_cache(maxsize=None)
def _build_sc_kernel(S, D, T, NC, NS, JC):
    NW = NC * NS
    ROWS = S // NW
    NJC = S // JC
    VPR = D // _LANES

    mesh = plsc.VectorSubcoreMesh(core_axis_name="c", subcore_axis_name="s")

    Q = 4
    NGJ = ROWS // Q
    NG = NJC * NGJ
    TR = JC + Q - 1

    @functools.partial(
        pl.kernel,
        out_type=jax.ShapeDtypeStruct((S, S, D), jnp.float32),
        mesh=mesh,
        scratch_types=[
            pltpu.VMEM((JC, D), jnp.float32),
            [pltpu.VMEM((TR * D,), jnp.float32) for _ in range(2)],
            [pltpu.VMEM((Q, JC, D), jnp.float32) for _ in range(2)],
            [pltpu.SemaphoreType.DMA for _ in range(2)],
            [pltpu.SemaphoreType.DMA for _ in range(2)],
            pltpu.VMEM_SHARED((T * D,), jnp.float32),
            pltpu.VMEM_SHARED((S, D), jnp.float32),
        ],
    )
    def sc_kernel(x_hbm, tab_hbm, out_hbm, xbuf, tbs, obs, tsems, osems,
                  stab, sx):
        sid = lax.axis_index("s")
        wid = sid * NC + lax.axis_index("c")
        i0 = wid * ROWS
        ML = (T - 1) // 2

        @pl.when(sid == 0)
        def _():
            pltpu.sync_copy(tab_hbm, stab)

        @pl.when(sid == 1)
        def _():
            pltpu.sync_copy(x_hbm, sx)

        plsc.subcore_barrier()

        def tstart(r0, j0, b):
            start = r0 + (ML - JC + 1) - j0
            pltpu.make_async_copy(
                stab.at[pl.ds(start * D, TR * D)], tbs[b], tsems[b]).start()

        def twait(b):
            pltpu.make_async_copy(
                stab.at[pl.ds(0, TR * D)], tbs[b], tsems[b]).wait()

        def ostart(r0, j0, b):
            pltpu.make_async_copy(
                obs[b], out_hbm.at[pl.ds(r0, Q), pl.ds(j0, JC)], osems[b]).start()

        def owait(b):
            pltpu.make_async_copy(
                out_hbm.at[pl.ds(0, Q), pl.ds(0, JC)], obs[b], osems[b]).wait()

        def compute_group(p):
            tb = tbs[p]
            og = obs[p]

            def trow(k):
                return tuple(
                    tb[pl.ds(k * D + v * _LANES, _LANES)] for v in range(VPR))

            init = tuple(trow(JC - 1 + q) for q in range(Q))

            @plsc.parallel_loop(0, JC, carry=init)
            def _(jj, tcar):
                for v in range(VPR):
                    sl = pl.ds(v * _LANES, _LANES)
                    xv = xbuf[jj, sl]
                    for q in range(Q):
                        og[q, jj, sl] = xv + tcar[q][v]
                nk = jnp.maximum(JC - 2 - jj, 0)
                return (trow(nk),) + tcar[:Q - 1]

        def group_params(g):
            jc = g // NGJ
            t = g - jc * NGJ
            return i0 + Q * t, jc * JC

        r0p, j0p = group_params(0)
        tstart(r0p, j0p, 0)

        def gloop(g2, _):
            for p in range(2):
                g = 2 * g2 + p
                r0, j0 = group_params(g)

                @pl.when(g % NGJ == 0)
                def _():
                    pltpu.sync_copy(sx.at[pl.ds(j0, JC)], xbuf)

                @pl.when(g < NG - 1)
                def _():
                    nr0, nj0 = group_params(g + 1)
                    tstart(nr0, nj0, 1 - p)

                twait(p)

                @pl.when(g >= 2)
                def _():
                    owait(p)

                compute_group(p)
                ostart(r0, j0, p)
            return 0

        lax.fori_loop(0, NG // 2, gloop, 0)
        for b in range(2):
            owait(b)

    return sc_kernel


def kernel(x, rel_pos_embeddings):
    batch, S, D = x.shape
    T = rel_pos_embeddings.shape[0]
    info = plsc.get_sparse_core_info()
    sc = _build_sc_kernel(S, D, T, info.num_cores, info.num_subcores, 64)
    return sc(x.reshape(S, D), rel_pos_embeddings.reshape(T * D))

# --- scband reference (transcript-rebuilt; emitter-appended) ---
"""Pipeline reference for scband-relative-positional-encoding-9423158248088 (READ-ONLY COPY).

The authoritative reference and input builder live on the scoring server;
editing this copy changes nothing except your own understanding.
"""

import jax, jax.numpy as jnp
import numpy as np


def setup_inputs(seed: int = 0) -> dict:
    key = jax.random.key(seed)
    k1, k2 = jax.random.split(key)
    hidden_dim = 128
    max_len = 1024
    x = jax.random.normal(k1, (1, 1024, hidden_dim), dtype=jnp.float32)
    rel_pos_embeddings = jax.random.normal(k2, (2 * max_len + 1, hidden_dim), dtype=jnp.float32)
    return {"x": x, "rel_pos_embeddings": rel_pos_embeddings}


def reference(x, rel_pos_embeddings):
    batch_size, seq_len, hidden_dim = x.shape
    max_len = (rel_pos_embeddings.shape[0] - 1) // 2
    pos_indices = jnp.arange(seq_len)
    rel_pos_indices = pos_indices[:, None] - pos_indices[None, :]
    rel_pos_indices = rel_pos_indices + max_len
    rel_pos_emb = jnp.take(rel_pos_embeddings, rel_pos_indices, axis=0)
    return x + rel_pos_emb

if __name__ == "__main__":
    import jax
    _d = setup_inputs()
    print(jax.jit(kernel)(*tuple(_d.values())))

</pallas_src>

<mosaic_0001>
#map = affine_map<(d0, d1) -> (0, 0)>
#map1 = affine_map<(d0, d1) -> (0)>
#map2 = affine_map<(d0, d1) -> (0, 0, 0)>
module attributes {stable_mosaic.version = 14 : i64} {
  func.func @sc_kernel(%arg0: i32, %arg1: i32, %arg2: memref<1024x128xf32, #tpu.memory_space<hbm>>, %arg3: memref<262272xf32, #tpu.memory_space<hbm>>, %arg4: memref<1024x1024x128xf32, #tpu.memory_space<hbm>>, %arg5: memref<64x128xf32, #tpu.memory_space<vmem>>, %arg6: memref<8576xf32, #tpu.memory_space<vmem>>, %arg7: memref<8576xf32, #tpu.memory_space<vmem>>, %arg8: memref<4x64x128xf32, #tpu.memory_space<vmem>>, %arg9: memref<4x64x128xf32, #tpu.memory_space<vmem>>, %arg10: memref<!tpu.dma_semaphore, #tpu.memory_space<semaphore_mem>>, %arg11: memref<!tpu.dma_semaphore, #tpu.memory_space<semaphore_mem>>, %arg12: memref<!tpu.dma_semaphore, #tpu.memory_space<semaphore_mem>>, %arg13: memref<!tpu.dma_semaphore, #tpu.memory_space<semaphore_mem>>, %arg14: memref<262272xf32, #tpu.memory_space<vmem_shared>>, %arg15: memref<1024x128xf32, #tpu.memory_space<vmem_shared>>) attributes {dimension_semantics = [#tpu.dimension_semantics<core_parallel>, #tpu.dimension_semantics<subcore_parallel>], iteration_bounds = array<i64: 2, 16>, scalar_prefetch = 0 : i64, scratch_operands = 11 : i64, tpu.core_type = #tpu.core_type<sc_vector_subcore>, window_params = [{transform_indices = #map}, {transform_indices = #map1}, {transform_indices = #map2}]} {
    %mul3A = arith.constant 2 : i32
    %mul3A_0 = arith.muli %arg1, %mul3A : i32
    %add3A = arith.addi %mul3A_0, %arg0 : i32
    %mul3A_1 = arith.constant 32 : i32
    %mul3A_2 = arith.muli %add3A, %mul3A_1 : i32
    %eq3A = arith.constant 0 : i32
    %eq3A_3 = arith.cmpi eq, %arg1, %eq3A : i32
    %convert_element_type3A = arith.extui %eq3A_3 : i1 to i32
    %cond3A = arith.constant 0 : i32
    %cond3A_4 = arith.cmpi ne, %convert_element_type3A, %cond3A : i32
    scf.if %cond3A_4 {
      "tpu.region"() ({
        %run_scoped3A = tpu.sem_alloc : memref<!tpu.dma_semaphore, #tpu.memory_space<semaphore_mem>>
        tpu.enqueue_dma source(%arg3 : memref<262272xf32, #tpu.memory_space<hbm>>) target(%arg14 : memref<262272xf32, #tpu.memory_space<vmem_shared>>) target_semaphore(%run_scoped3A : memref<!tpu.dma_semaphore, #tpu.memory_space<semaphore_mem>>)
        tpu.wait_dma2 semaphore(%run_scoped3A : memref<!tpu.dma_semaphore, #tpu.memory_space<semaphore_mem>>) src(%arg3 : memref<262272xf32, #tpu.memory_space<hbm>>) dst(%arg14 : memref<262272xf32, #tpu.memory_space<vmem_shared>>)
        tpu.yield
      }) : () -> ()
    } else {
    }
    %eq3A_5 = arith.constant 1 : i32
    %eq3A_6 = arith.cmpi eq, %arg1, %eq3A_5 : i32
    %convert_element_type3A_7 = arith.extui %eq3A_6 : i1 to i32
    %cond3A_8 = arith.constant 0 : i32
    %cond3A_9 = arith.cmpi ne, %convert_element_type3A_7, %cond3A_8 : i32
    scf.if %cond3A_9 {
      "tpu.region"() ({
        %run_scoped3A = tpu.sem_alloc : memref<!tpu.dma_semaphore, #tpu.memory_space<semaphore_mem>>
        tpu.enqueue_dma source(%arg2 : memref<1024x128xf32, #tpu.memory_space<hbm>>) target(%arg15 : memref<1024x128xf32, #tpu.memory_space<vmem_shared>>) target_semaphore(%run_scoped3A : memref<!tpu.dma_semaphore, #tpu.memory_space<semaphore_mem>>)
        tpu.wait_dma2 semaphore(%run_scoped3A : memref<!tpu.dma_semaphore, #tpu.memory_space<semaphore_mem>>) src(%arg2 : memref<1024x128xf32, #tpu.memory_space<hbm>>) dst(%arg15 : memref<1024x128xf32, #tpu.memory_space<vmem_shared>>)
        tpu.yield
      }) : () -> ()
    } else {
    }
    %barrier3A = arith.constant 0 : index
    tpu.barrier barrier_id(%barrier3A)
    %add3A_10 = arith.constant 0 : i32
    %add3A_11 = arith.addi %mul3A_2, %add3A_10 : i32
    %add3A_12 = arith.constant 961 : i32
    %add3A_13 = arith.addi %add3A_11, %add3A_12 : i32
    %sub3A = arith.constant 0 : i32
    %sub3A_14 = arith.subi %add3A_13, %sub3A : i32
    %mul3A_15 = arith.constant 128 : i32
    %mul3A_16 = arith.muli %sub3A_14, %mul3A_15 : i32
    %dma_start3A = tpu.memref_slice %arg14[%mul3A_16] : memref<262272xf32, #tpu.memory_space<vmem_shared>> -> memref<8576xf32, #tpu.memory_space<vmem_shared>>
    %dma_start3A_17 = tpu.memref_slice %arg14[%mul3A_16] : memref<262272xf32, #tpu.memory_space<vmem_shared>> -> memref<8576xf32, #tpu.memory_space<vmem_shared>>
    tpu.enqueue_dma source(%dma_start3A_17 : memref<8576xf32, #tpu.memory_space<vmem_shared>>) target(%arg6 : memref<8576xf32, #tpu.memory_space<vmem>>) target_semaphore(%arg10 : memref<!tpu.dma_semaphore, #tpu.memory_space<semaphore_mem>>)
    %scan3A = arith.constant 0 : i32
    %scan3A_18 = arith.constant 0 : i32
    %scan3A_19 = arith.constant 64 : i32
    %scan3A_20 = arith.addi %scan3A_18, %scan3A_19 : i32
    %scan3A_21 = arith.constant 1 : i32
    %scan3A_22 = scf.for %scan3A_39 = %scan3A_18 to %scan3A_20 step %scan3A_21 iter_args(%scan3A_40 = %scan3A) -> (i32)  : i32 {
      %mul3A_41 = arith.constant 2 : i32
      %mul3A_42 = arith.muli %mul3A_41, %scan3A_39 : i32
      %add3A_43 = arith.constant 0 : i32
      %add3A_44 = arith.addi %mul3A_42, %add3A_43 : i32
      %jit3A = arith.constant 8 : i32
      %div3A = arith.divsi %add3A_44, %jit3A : i32
      %sign3A = arith.constant 0 : i32
      %sign3A_45 = arith.cmpi sgt, %add3A_44, %sign3A : i32
      %sign3A_46 = arith.extui %sign3A_45 : i1 to i32
      %sign3A_47 = arith.constant 0 : i32
      %sign3A_48 = arith.cmpi slt, %add3A_44, %sign3A_47 : i32
      %sign3A_49 = arith.extui %sign3A_48 : i1 to i32
      %sign3A_50 = arith.subi %sign3A_46, %sign3A_49 : i32
      %sign3A_51 = arith.constant 0 : i32
      %sign3A_52 = arith.cmpi sgt, %jit3A, %sign3A_51 : i32
      %sign3A_53 = arith.extui %sign3A_52 : i1 to i32
      %sign3A_54 = arith.constant 0 : i32
      %sign3A_55 = arith.cmpi slt, %jit3A, %sign3A_54 : i32
      %sign3A_56 = arith.extui %sign3A_55 : i1 to i32
      %sign3A_57 = arith.subi %sign3A_53, %sign3A_56 : i32
      %ne3A = arith.cmpi ne, %sign3A_50, %sign3A_57 : i32
      %rem3A = arith.remsi %add3A_44, %jit3A : i32
      %ne3A_58 = arith.constant 0 : i32
      %ne3A_59 = arith.cmpi ne, %rem3A, %ne3A_58 : i32
      %and3A = arith.andi %ne3A, %ne3A_59 : i1
      %sub3A_60 = arith.constant 1 : i32
      %sub3A_61 = arith.subi %div3A, %sub3A_60 : i32
      %select_n3A = arith.select %and3A, %sub3A_61, %div3A : i32
      %mul3A_62 = arith.constant 8 : i32
      %mul3A_63 = arith.muli %select_n3A, %mul3A_62 : i32
      %sub3A_64 = arith.subi %add3A_44, %mul3A_63 : i32
      %mul3A_65 = arith.constant 4 : i32
      %mul3A_66 = arith.muli %mul3A_65, %sub3A_64 : i32
      %add3A_67 = arith.addi %mul3A_2, %mul3A_66 : i32
      %mul3A_68 = arith.constant 64 : i32
      %mul3A_69 = arith.muli %select_n3A, %mul3A_68 : i32
      %jit3A_70 = arith.constant 8 : i32
      %eq3A_71 = arith.constant 0 : i32
      %eq3A_72 = arith.cmpi eq, %jit3A_70, %eq3A_71 : i32
      %jit3A_73 = arith.constant 1 : i32
      %select_n3A_74 = arith.select %eq3A_72, %jit3A_73, %jit3A_70 : i32
      %rem3A_75 = arith.remsi %add3A_44, %select_n3A_74 : i32
      %ne3A_76 = arith.constant 0 : i32
      %ne3A_77 = arith.cmpi ne, %rem3A_75, %ne3A_76 : i32
      %lt3A = arith.constant 0 : i32
      %lt3A_78 = arith.cmpi slt, %rem3A_75, %lt3A : i32
      %lt3A_79 = arith.constant 0 : i32
      %lt3A_80 = arith.cmpi slt, %select_n3A_74, %lt3A_79 : i32
      %ne3A_81 = arith.xori %lt3A_78, %lt3A_80 : i1
      %and3A_82 = arith.andi %ne3A_81, %ne3A_77 : i1
      %add3A_83 = arith.addi %rem3A_75, %select_n3A_74 : i32
      %select_n3A_84 = arith.select %and3A_82, %add3A_83, %rem3A_75 : i32
      %eq3A_85 = arith.constant 0 : i32
      %eq3A_86 = arith.cmpi eq, %select_n3A_84, %eq3A_85 : i32
      %convert_element_type3A_87 = arith.extui %eq3A_86 : i1 to i32
      %cond3A_88 = arith.constant 0 : i32
      %cond3A_89 = arith.cmpi ne, %convert_element_type3A_87, %cond3A_88 : i32
      scf.if %cond3A_89 {
        "tpu.region"() ({
          %run_scoped3A = tpu.sem_alloc : memref<!tpu.dma_semaphore, #tpu.memory_space<semaphore_mem>>
          %dma_start3A_381 = arith.constant 0 : i32
          %dma_start3A_382 = tpu.memref_slice %arg15[%mul3A_69, %dma_start3A_381] : memref<1024x128xf32, #tpu.memory_space<vmem_shared>> -> memref<64x128xf32, #tpu.memory_space<vmem_shared>>
          %dma_start3A_383 = arith.constant 0 : i32
          %dma_start3A_384 = tpu.memref_slice %arg15[%mul3A_69, %dma_start3A_383] : memref<1024x128xf32, #tpu.memory_space<vmem_shared>> -> memref<64x128xf32, #tpu.memory_space<vmem_shared>>
          tpu.enqueue_dma source(%dma_start3A_384 : memref<64x128xf32, #tpu.memory_space<vmem_shared>>) target(%arg5 : memref<64x128xf32, #tpu.memory_space<vmem>>) target_semaphore(%run_scoped3A : memref<!tpu.dma_semaphore, #tpu.memory_space<semaphore_mem>>)
          %dma_wait3A_385 = arith.constant 0 : i32
          %dma_wait3A_386 = tpu.memref_slice %arg15[%mul3A_69, %dma_wait3A_385] : memref<1024x128xf32, #tpu.memory_space<vmem_shared>> -> memref<64x128xf32, #tpu.memory_space<vmem_shared>>
          %dma_wait3A_387 = arith.constant 0 : i32
          %dma_wait3A_388 = tpu.memref_slice %arg15[%mul3A_69, %dma_wait3A_387] : memref<1024x128xf32, #tpu.memory_space<vmem_shared>> -> memref<64x128xf32, #tpu.memory_space<vmem_shared>>
          tpu.wait_dma2 semaphore(%run_scoped3A : memref<!tpu.dma_semaphore, #tpu.memory_space<semaphore_mem>>) src(%dma_wait3A_388 : memref<64x128xf32, #tpu.memory_space<vmem_shared>>) dst(%arg5 : memref<64x128xf32, #tpu.memory_space<vmem>>)
          tpu.yield
        }) : () -> ()
      } else {
      }
      %lt3A_90 = arith.constant 127 : i32
      %lt3A_91 = arith.cmpi slt, %add3A_44, %lt3A_90 : i32
      %convert_element_type3A_92 = arith.extui %lt3A_91 : i1 to i32
      %cond3A_93 = arith.constant 0 : i32
      %cond3A_94 = arith.cmpi ne, %convert_element_type3A_92, %cond3A_93 : i32
      scf.if %cond3A_94 {
        %add3A_381 = arith.constant 1 : i32
        %add3A_382 = arith.addi %add3A_44, %add3A_381 : i32
        %jit3A_383 = arith.constant 8 : i32
        %div3A_384 = arith.divsi %add3A_382, %jit3A_383 : i32
        %sign3A_385 = arith.constant 0 : i32
        %sign3A_386 = arith.cmpi sgt, %add3A_382, %sign3A_385 : i32
        %sign3A_387 = arith.extui %sign3A_386 : i1 to i32
        %sign3A_388 = arith.constant 0 : i32
        %sign3A_389 = arith.cmpi slt, %add3A_382, %sign3A_388 : i32
        %sign3A_390 = arith.extui %sign3A_389 : i1 to i32
        %sign3A_391 = arith.subi %sign3A_387, %sign3A_390 : i32
        %sign3A_392 = arith.constant 0 : i32
        %sign3A_393 = arith.cmpi sgt, %jit3A_383, %sign3A_392 : i32
        %sign3A_394 = arith.extui %sign3A_393 : i1 to i32
        %sign3A_395 = arith.constant 0 : i32
        %sign3A_396 = arith.cmpi slt, %jit3A_383, %sign3A_395 : i32
        %sign3A_397 = arith.extui %sign3A_396 : i1 to i32
        %sign3A_398 = arith.subi %sign3A_394, %sign3A_397 : i32
        %ne3A_399 = arith.cmpi ne, %sign3A_391, %sign3A_398 : i32
        %rem3A_400 = arith.remsi %add3A_382, %jit3A_383 : i32
        %ne3A_401 = arith.constant 0 : i32
        %ne3A_402 = arith.cmpi ne, %rem3A_400, %ne3A_401 : i32
        %and3A_403 = arith.andi %ne3A_399, %ne3A_402 : i1
        %sub3A_404 = arith.constant 1 : i32
        %sub3A_405 = arith.subi %div3A_384, %sub3A_404 : i32
        %select_n3A_406 = arith.select %and3A_403, %sub3A_405, %div3A_384 : i32
        %mul3A_407 = arith.constant 8 : i32
        %mul3A_408 = arith.muli %select_n3A_406, %mul3A_407 : i32
        %sub3A_409 = arith.subi %add3A_382, %mul3A_408 : i32
        %mul3A_410 = arith.constant 4 : i32
        %mul3A_411 = arith.muli %mul3A_410, %sub3A_409 : i32
        %add3A_412 = arith.addi %mul3A_2, %mul3A_411 : i32
        %mul3A_413 = arith.constant 64 : i32
        %mul3A_414 = arith.muli %select_n3A_406, %mul3A_413 : i32
        %add3A_415 = arith.constant 961 : i32
        %add3A_416 = arith.addi %add3A_412, %add3A_415 : i32
        %sub3A_417 = arith.subi %add3A_416, %mul3A_414 : i32
        %mul3A_418 = arith.constant 128 : i32
        %mul3A_419 = arith.muli %sub3A_417, %mul3A_418 : i32
        %dma_start3A_420 = tpu.memref_slice %arg14[%mul3A_419] : memref<262272xf32, #tpu.memory_space<vmem_shared>> -> memref<8576xf32, #tpu.memory_space<vmem_shared>>
        %dma_start3A_421 = tpu.memref_slice %arg14[%mul3A_419] : memref<262272xf32, #tpu.memory_space<vmem_shared>> -> memref<8576xf32, #tpu.memory_space<vmem_shared>>
        tpu.enqueue_dma source(%dma_start3A_421 : memref<8576xf32, #tpu.memory_space<vmem_shared>>) target(%arg7 : memref<8576xf32, #tpu.memory_space<vmem>>) target_semaphore(%arg11 : memref<!tpu.dma_semaphore, #tpu.memory_space<semaphore_mem>>)
      } else {
      }
      %dma_wait3A_95 = arith.constant 0 : i32
      %dma_wait3A_96 = tpu.memref_slice %arg14[%dma_wait3A_95] : memref<262272xf32, #tpu.memory_space<vmem_shared>> -> memref<8576xf32, #tpu.memory_space<vmem_shared>>
      %dma_wait3A_97 = arith.constant 0 : i32
      %dma_wait3A_98 = tpu.memref_slice %arg14[%dma_wait3A_97] : memref<262272xf32, #tpu.memory_space<vmem_shared>> -> memref<8576xf32, #tpu.memory_space<vmem_shared>>
      tpu.wait_dma2 semaphore(%arg10 : memref<!tpu.dma_semaphore, #tpu.memory_space<semaphore_mem>>) src(%dma_wait3A_98 : memref<8576xf32, #tpu.memory_space<vmem_shared>>) dst(%arg6 : memref<8576xf32, #tpu.memory_space<vmem>>)
      %ge3A = arith.constant 2 : i32
      %ge3A_99 = arith.cmpi sge, %add3A_44, %ge3A : i32
      %convert_element_type3A_100 = arith.extui %ge3A_99 : i1 to i32
      %cond3A_101 = arith.constant 0 : i32
      %cond3A_102 = arith.cmpi ne, %convert_element_type3A_100, %cond3A_101 : i32
      scf.if %cond3A_102 {
        %dma_wait3A_381 = arith.constant 0 : i32
        %dma_wait3A_382 = arith.constant 0 : i32
        %dma_wait3A_383 = arith.constant 0 : i32
        %dma_wait3A_384 = tpu.memref_slice %arg4[%dma_wait3A_381, %dma_wait3A_382, %dma_wait3A_383] : memref<1024x1024x128xf32, #tpu.memory_space<hbm>> -> memref<4x64x128xf32, #tpu.memory_space<hbm>>
        %dma_wait3A_385 = arith.constant 0 : i32
        %dma_wait3A_386 = arith.constant 0 : i32
        %dma_wait3A_387 = arith.constant 0 : i32
        %dma_wait3A_388 = tpu.memref_slice %arg4[%dma_wait3A_385, %dma_wait3A_386, %dma_wait3A_387] : memref<1024x1024x128xf32, #tpu.memory_space<hbm>> -> memref<4x64x128xf32, #tpu.memory_space<hbm>>
        tpu.wait_dma2 semaphore(%arg12 : memref<!tpu.dma_semaphore, #tpu.memory_space<semaphore_mem>>) src(%dma_wait3A_388 : memref<4x64x128xf32, #tpu.memory_space<hbm>>) dst(%arg8 : memref<4x64x128xf32, #tpu.memory_space<vmem>>)
      } else {
      }
      %get3A = arith.constant 8064 : index
      %get3A_103 = tpu.vector_load %arg6[%get3A] {strides = array<i32>} : memref<8576xf32, #tpu.memory_space<vmem>>, vector<16xf32>,
      %get3A_104 = vector.shape_cast %get3A_103 : vector<16xf32> to vector<16xf32>
      %get3A_105 = arith.constant 8080 : index
      %get3A_106 = tpu.vector_load %arg6[%get3A_105] {strides = array<i32>} : memref<8576xf32, #tpu.memory_space<vmem>>, vector<16xf32>,
      %get3A_107 = vector.shape_cast %get3A_106 : vector<16xf32> to vector<16xf32>
      %get3A_108 = arith.constant 8096 : index
      %get3A_109 = tpu.vector_load %arg6[%get3A_108] {strides = array<i32>} : memref<8576xf32, #tpu.memory_space<vmem>>, vector<16xf32>,
      %get3A_110 = vector.shape_cast %get3A_109 : vector<16xf32> to vector<16xf32>
      %get3A_111 = arith.constant 8112 : index
      %get3A_112 = tpu.vector_load %arg6[%get3A_111] {strides = array<i32>} : memref<8576xf32, #tpu.memory_space<vmem>>, vector<16xf32>,
      %get3A_113 = vector.shape_cast %get3A_112 : vector<16xf32> to vector<16xf32>
      %get3A_114 = arith.constant 8128 : index
      %get3A_115 = tpu.vector_load %arg6[%get3A_114] {strides = array<i32>} : memref<8576xf32, #tpu.memory_space<vmem>>, vector<16xf32>,
      %get3A_116 = vector.shape_cast %get3A_115 : vector<16xf32> to vector<16xf32>
      %get3A_117 = arith.constant 8144 : index
      %get3A_118 = tpu.vector_load %arg6[%get3A_117] {strides = array<i32>} : memref<8576xf32, #tpu.memory_space<vmem>>, vector<16xf32>,
      %get3A_119 = vector.shape_cast %get3A_118 : vector<16xf32> to vector<16xf32>
      %get3A_120 = arith.constant 8160 : index
      %get3A_121 = tpu.vector_load %arg6[%get3A_120] {strides = array<i32>} : memref<8576xf32, #tpu.memory_space<vmem>>, vector<16xf32>,
      %get3A_122 = vector.shape_cast %get3A_121 : vector<16xf32> to vector<16xf32>
      %get3A_123 = arith.constant 8176 : index
      %get3A_124 = tpu.vector_load %arg6[%get3A_123] {strides = array<i32>} : memref<8576xf32, #tpu.memory_space<vmem>>, vector<16xf32>,
      %get3A_125 = vector.shape_cast %get3A_124 : vector<16xf32> to vector<16xf32>
      %get3A_126 = arith.constant 8192 : index
      %get3A_127 = tpu.vector_load %arg6[%get3A_126] {strides = array<i32>} : memref<8576xf32, #tpu.memory_space<vmem>>, vector<16xf32>,
      %get3A_128 = vector.shape_cast %get3A_127 : vector<16xf32> to vector<16xf32>
      %get3A_129 = arith.constant 8208 : index
      %get3A_130 = tpu.vector_load %arg6[%get3A_129] {strides = array<i32>} : memref<8576xf32, #tpu.memory_space<vmem>>, vector<16xf32>,
      %get3A_131 = vector.shape_cast %get3A_130 : vector<16xf32> to vector<16xf32>
      %get3A_132 = arith.constant 8224 : index
      %get3A_133 = tpu.vector_load %arg6[%get3A_132] {strides = array<i32>} : memref<8576xf32, #tpu.memory_space<vmem>>, vector<16xf32>,
      %get3A_134 = vector.shape_cast %get3A_133 : vector<16xf32> to vector<16xf32>
      %get3A_135 = arith.constant 8240 : index
      %get3A_136 = tpu.vector_load %arg6[%get3A_135] {strides = array<i32>} : memref<8576xf32, #tpu.memory_space<vmem>>, vector<16xf32>,
      %get3A_137 = vector.shape_cast %get3A_136 : vector<16xf32> to vector<16xf32>
      %get3A_138 = arith.constant 8256 : index
      %get3A_139 = tpu.vector_load %arg6[%get3A_138] {strides = array<i32>} : memref<8576xf32, #tpu.memory_space<vmem>>, vector<16xf32>,
      %get3A_140 = vector.shape_cast %get3A_139 : vector<16xf32> to vector<16xf32>
      %get3A_141 = arith.constant 8272 : index
      %get3A_142 = tpu.vector_load %arg6[%get3A_141] {strides = array<i32>} : memref<8576xf32, #tpu.memory_space<vmem>>, vector<16xf32>,
      %get3A_143 = vector.shape_cast %get3A_142 : vector<16xf32> to vector<16xf32>
      %get3A_144 = arith.constant 8288 : index
      %get3A_145 = tpu.vector_load %arg6[%get3A_144] {strides = array<i32>} : memref<8576xf32, #tpu.memory_space<vmem>>, vector<16xf32>,
      %get3A_146 = vector.shape_cast %get3A_145 : vector<16xf32> to vector<16xf32>
      %get3A_147 = arith.constant 8304 : index
      %get3A_148 = tpu.vector_load %arg6[%get3A_147] {strides = array<i32>} : memref<8576xf32, #tpu.memory_space<vmem>>, vector<16xf32>,
      %get3A_149 = vector.shape_cast %get3A_148 : vector<16xf32> to vector<16xf32>
      %get3A_150 = arith.constant 8320 : index
      %get3A_151 = tpu.vector_load %arg6[%get3A_150] {strides = array<i32>} : memref<8576xf32, #tpu.memory_space<vmem>>, vector<16xf32>,
      %get3A_152 = vector.shape_cast %get3A_151 : vector<16xf32> to vector<16xf32>
      %get3A_153 = arith.constant 8336 : index
      %get3A_154 = tpu.vector_load %arg6[%get3A_153] {strides = array<i32>} : memref<8576xf32, #tpu.memory_space<vmem>>, vector<16xf32>,
      %get3A_155 = vector.shape_cast %get3A_154 : vector<16xf32> to vector<16xf32>
      %get3A_156 = arith.constant 8352 : index
      %get3A_157 = tpu.vector_load %arg6[%get3A_156] {strides = array<i32>} : memref<8576xf32, #tpu.memory_space<vmem>>, vector<16xf32>,
      %get3A_158 = vector.shape_cast %get3A_157 : vector<16xf32> to vector<16xf32>
      %get3A_159 = arith.constant 8368 : index
      %get3A_160 = tpu.vector_load %arg6[%get3A_159] {strides = array<i32>} : memref<8576xf32, #tpu.memory_space<vmem>>, vector<16xf32>,
      %get3A_161 = vector.shape_cast %get3A_160 : vector<16xf32> to vector<16xf32>
      %get3A_162 = arith.constant 8384 : index
      %get3A_163 = tpu.vector_load %arg6[%get3A_162] {strides = array<i32>} : memref<8576xf32, #tpu.memory_space<vmem>>, vector<16xf32>,
      %get3A_164 = vector.shape_cast %get3A_163 : vector<16xf32> to vector<16xf32>
      %get3A_165 = arith.constant 8400 : index
      %get3A_166 = tpu.vector_load %arg6[%get3A_165] {strides = array<i32>} : memref<8576xf32, #tpu.memory_space<vmem>>, vector<16xf32>,
      %get3A_167 = vector.shape_cast %get3A_166 : vector<16xf32> to vector<16xf32>
      %get3A_168 = arith.constant 8416 : index
      %get3A_169 = tpu.vector_load %arg6[%get3A_168] {strides = array<i32>} : memref<8576xf32, #tpu.memory_space<vmem>>, vector<16xf32>,
      %get3A_170 = vector.shape_cast %get3A_169 : vector<16xf32> to vector<16xf32>
      %get3A_171 = arith.constant 8432 : index
      %get3A_172 = tpu.vector_load %arg6[%get3A_171] {strides = array<i32>} : memref<8576xf32, #tpu.memory_space<vmem>>, vector<16xf32>,
      %get3A_173 = vector.shape_cast %get3A_172 : vector<16xf32> to vector<16xf32>
      %get3A_174 = arith.constant 8448 : index
      %get3A_175 = tpu.vector_load %arg6[%get3A_174] {strides = array<i32>} : memref<8576xf32, #tpu.memory_space<vmem>>, vector<16xf32>,
      %get3A_176 = vector.shape_cast %get3A_175 : vector<16xf32> to vector<16xf32>
      %get3A_177 = arith.constant 8464 : index
      %get3A_178 = tpu.vector_load %arg6[%get3A_177] {strides = array<i32>} : memref<8576xf32, #tpu.memory_space<vmem>>, vector<16xf32>,
      %get3A_179 = vector.shape_cast %get3A_178 : vector<16xf32> to vector<16xf32>
      %get3A_180 = arith.constant 8480 : index
      %get3A_181 = tpu.vector_load %arg6[%get3A_180] {strides = array<i32>} : memref<8576xf32, #tpu.memory_space<vmem>>, vector<16xf32>,
      %get3A_182 = vector.shape_cast %get3A_181 : vector<16xf32> to vector<16xf32>
      %get3A_183 = arith.constant 8496 : index
      %get3A_184 = tpu.vector_load %arg6[%get3A_183] {strides = array<i32>} : memref<8576xf32, #tpu.memory_space<vmem>>, vector<16xf32>,
      %get3A_185 = vector.shape_cast %get3A_184 : vector<16xf32> to vector<16xf32>
      %get3A_186 = arith.constant 8512 : index
      %get3A_187 = tpu.vector_load %arg6[%get3A_186] {strides = array<i32>} : memref<8576xf32, #tpu.memory_space<vmem>>, vector<16xf32>,
      %get3A_188 = vector.shape_cast %get3A_187 : vector<16xf32> to vector<16xf32>
      %get3A_189 = arith.constant 8528 : index
      %get3A_190 = tpu.vector_load %arg6[%get3A_189] {strides = array<i32>} : memref<8576xf32, #tpu.memory_space<vmem>>, vector<16xf32>,
      %get3A_191 = vector.shape_cast %get3A_190 : vector<16xf32> to vector<16xf32>
      %get3A_192 = arith.constant 8544 : index
      %get3A_193 = tpu.vector_load %arg6[%get3A_192] {strides = array<i32>} : memref<8576xf32, #tpu.memory_space<vmem>>, vector<16xf32>,
      %get3A_194 = vector.shape_cast %get3A_193 : vector<16xf32> to vector<16xf32>
      %get3A_195 = arith.constant 8560 : index
      %get3A_196 = tpu.vector_load %arg6[%get3A_195] {strides = array<i32>} : memref<8576xf32, #tpu.memory_space<vmem>>, vector<16xf32>,
      %get3A_197 = vector.shape_cast %get3A_196 : vector<16xf32> to vector<16xf32>
      %parallel_loop3A = arith.constant 0 : i32
      %parallel_loop3A_198 = arith.constant 64 : i32
      %parallel_loop3A_199 = arith.constant 1 : i32
      %parallel_loop3A_200:32 = scf.for %parallel_loop3A_381 = %parallel_loop3A to %parallel_loop3A_198 step %parallel_loop3A_199 iter_args(%parallel_loop3A_382 = %get3A_104, %parallel_loop3A_383 = %get3A_107, %parallel_loop3A_384 = %get3A_110, %parallel_loop3A_385 = %get3A_113, %parallel_loop3A_386 = %get3A_116, %parallel_loop3A_387 = %get3A_119, %parallel_loop3A_388 = %get3A_122, %parallel_loop3A_389 = %get3A_125, %parallel_loop3A_390 = %get3A_128, %parallel_loop3A_391 = %get3A_131, %parallel_loop3A_392 = %get3A_134, %parallel_loop3A_393 = %get3A_137, %parallel_loop3A_394 = %get3A_140, %parallel_loop3A_395 = %get3A_143, %parallel_loop3A_396 = %get3A_146, %parallel_loop3A_397 = %get3A_149, %parallel_loop3A_398 = %get3A_152, %parallel_loop3A_399 = %get3A_155, %parallel_loop3A_400 = %get3A_158, %parallel_loop3A_401 = %get3A_161, %parallel_loop3A_402 = %get3A_164, %parallel_loop3A_403 = %get3A_167, %parallel_loop3A_404 = %get3A_170, %parallel_loop3A_405 = %get3A_173, %parallel_loop3A_406 = %get3A_176, %parallel_loop3A_407 = %get3A_179, %parallel_loop3A_408 = %get3A_182, %parallel_loop3A_409 = %get3A_185, %parallel_loop3A_410 = %get3A_188, %parallel_loop3A_411 = %get3A_191, %parallel_loop3A_412 = %get3A_194, %parallel_loop3A_413 = %get3A_197) -> (vector<16xf32>, vector<16xf32>, vector<16xf32>, vector<16xf32>, vector<16xf32>, vector<16xf32>, vector<16xf32>, vector<16xf32>, vector<16xf32>, vector<16xf32>, vector<16xf32>, vector<16xf32>, vector<16xf32>, vector<16xf32>, vector<16xf32>, vector<16xf32>, vector<16xf32>, vector<16xf32>, vector<16xf32>, vector<16xf32>, vector<16xf32>, vector<16xf32>, vector<16xf32>, vector<16xf32>, vector<16xf32>, vector<16xf32>, vector<16xf32>, vector<16xf32>, vector<16xf32>, vector<16xf32>, vector<16xf32>, vector<16xf32>)  : i32 {
        %parallel_loop3A_414 = arith.index_cast %parallel_loop3A_381 : i32 to index
        %parallel_loop3A_415 = arith.constant 0 : index
        %parallel_loop3A_416 = tpu.vector_load %arg5[%parallel_loop3A_414, %parallel_loop3A_415] {strides = array<i32>} : memref<64x128xf32, #tpu.memory_space<vmem>>, vector<1x16xf32>,
        %parallel_loop3A_417 = vector.shape_cast %parallel_loop3A_416 : vector<1x16xf32> to vector<16xf32>
        %parallel_loop3A_418 = arith.addf %parallel_loop3A_417, %parallel_loop3A_382 : vector<16xf32>
        %parallel_loop3A_419 = arith.constant 0 : i32
        %parallel_loop3A_420 = arith.index_cast %parallel_loop3A_419 : i32 to index
        %parallel_loop3A_421 = arith.index_cast %parallel_loop3A_381 : i32 to index
        %parallel_loop3A_422 = arith.constant 0 : index
        %parallel_loop3A_423 = tpu.vector_load %arg8[%parallel_loop3A_420, %parallel_loop3A_421, %parallel_loop3A_422] {strides = array<i32>} : memref<4x64x128xf32, #tpu.memory_space<vmem>>, vector<1x1x16xf32>,
        %parallel_loop3A_424 = vector.shape_cast %parallel_loop3A_423 : vector<1x1x16xf32> to vector<16xf32>
        %parallel_loop3A_425 = vector.shape_cast %parallel_loop3A_418 : vector<16xf32> to vector<1x1x16xf32>
        tpu.vector_store %arg8[%parallel_loop3A_420, %parallel_loop3A_421, %parallel_loop3A_422], %parallel_loop3A_425 {strides = array<i32>} : memref<4x64x128xf32, #tpu.memory_space<vmem>>, vector<1x1x16xf32>,
        %parallel_loop3A_426 = arith.addf %parallel_loop3A_417, %parallel_loop3A_390 : vector<16xf32>
        %parallel_loop3A_427 = arith.constant 1 : i32
        %parallel_loop3A_428 = arith.index_cast %parallel_loop3A_427 : i32 to index
        %parallel_loop3A_429 = arith.index_cast %parallel_loop3A_381 : i32 to index
        %parallel_loop3A_430 = arith.constant 0 : index
        %parallel_loop3A_431 = tpu.vector_load %arg8[%parallel_loop3A_428, %parallel_loop3A_429, %parallel_loop3A_430] {strides = array<i32>} : memref<4x64x128xf32, #tpu.memory_space<vmem>>, vector<1x1x16xf32>,
        %parallel_loop3A_432 = vector.shape_cast %parallel_loop3A_431 : vector<1x1x16xf32> to vector<16xf32>
        %parallel_loop3A_433 = vector.shape_cast %parallel_loop3A_426 : vector<16xf32> to vector<1x1x16xf32>
        tpu.vector_store %arg8[%parallel_loop3A_428, %parallel_loop3A_429, %parallel_loop3A_430], %parallel_loop3A_433 {strides = array<i32>} : memref<4x64x128xf32, #tpu.memory_space<vmem>>, vector<1x1x16xf32>,
        %parallel_loop3A_434 = arith.addf %parallel_loop3A_417, %parallel_loop3A_398 : vector<16xf32>
        %parallel_loop3A_435 = arith.constant 2 : i32
        %parallel_loop3A_436 = arith.index_cast %parallel_loop3A_435 : i32 to index
        %parallel_loop3A_437 = arith.index_cast %parallel_loop3A_381 : i32 to index
        %parallel_loop3A_438 = arith.constant 0 : index
        %parallel_loop3A_439 = tpu.vector_load %arg8[%parallel_loop3A_436, %parallel_loop3A_437, %parallel_loop3A_438] {strides = array<i32>} : memref<4x64x128xf32, #tpu.memory_space<vmem>>, vector<1x1x16xf32>,
        %parallel_loop3A_440 = vector.shape_cast %parallel_loop3A_439 : vector<1x1x16xf32> to vector<16xf32>
        %parallel_loop3A_441 = vector.shape_cast %parallel_loop3A_434 : vector<16xf32> to vector<1x1x16xf32>
        tpu.vector_store %arg8[%parallel_loop3A_436, %parallel_loop3A_437, %parallel_loop3A_438], %parallel_loop3A_441 {strides = array<i32>} : memref<4x64x128xf32, #tpu.memory_space<vmem>>, vector<1x1x16xf32>,
        %parallel_loop3A_442 = arith.addf %parallel_loop3A_417, %parallel_loop3A_406 : vector<16xf32>
        %parallel_loop3A_443 = arith.constant 3 : i32
        %parallel_loop3A_444 = arith.index_cast %parallel_loop3A_443 : i32 to index
        %parallel_loop3A_445 = arith.index_cast %parallel_loop3A_381 : i32 to index
        %parallel_loop3A_446 = arith.constant 0 : index
        %parallel_loop3A_447 = tpu.vector_load %arg8[%parallel_loop3A_444, %parallel_loop3A_445, %parallel_loop3A_446] {strides = array<i32>} : memref<4x64x128xf32, #tpu.memory_space<vmem>>, vector<1x1x16xf32>,
        %parallel_loop3A_448 = vector.shape_cast %parallel_loop3A_447 : vector<1x1x16xf32> to vector<16xf32>
        %parallel_loop3A_449 = vector.shape_cast %parallel_loop3A_442 : vector<16xf32> to vector<1x1x16xf32>
        tpu.vector_store %arg8[%parallel_loop3A_444, %parallel_loop3A_445, %parallel_loop3A_446], %parallel_loop3A_449 {strides = array<i32>} : memref<4x64x128xf32, #tpu.memory_space<vmem>>, vector<1x1x16xf32>,
        %parallel_loop3A_450 = arith.index_cast %parallel_loop3A_381 : i32 to index
        %parallel_loop3A_451 = arith.constant 16 : index
        %parallel_loop3A_452 = tpu.vector_load %arg5[%parallel_loop3A_450, %parallel_loop3A_451] {strides = array<i32>} : memref<64x128xf32, #tpu.memory_space<vmem>>, vector<1x16xf32>,
        %parallel_loop3A_453 = vector.shape_cast %parallel_loop3A_452 : vector<1x16xf32> to vector<16xf32>
        %parallel_loop3A_454 = arith.addf %parallel_loop3A_453, %parallel_loop3A_383 : vector<16xf32>
        %parallel_loop3A_455 = arith.constant 0 : i32
        %parallel_loop3A_456 = arith.index_cast %parallel_loop3A_455 : i32 to index
        %parallel_loop3A_457 = arith.index_cast %parallel_loop3A_381 : i32 to index
        %parallel_loop3A_458 = arith.constant 16 : index
        %parallel_loop3A_459 = tpu.vector_load %arg8[%parallel_loop3A_456, %parallel_loop3A_457, %parallel_loop3A_458] {strides = array<i32>} : memref<4x64x128xf32, #tpu.memory_space<vmem>>, vector<1x1x16xf32>,
        %parallel_loop3A_460 = vector.shape_cast %parallel_loop3A_459 : vector<1x1x16xf32> to vector<16xf32>
        %parallel_loop3A_461 = vector.shape_cast %parallel_loop3A_454 : vector<16xf32> to vector<1x1x16xf32>
        tpu.vector_store %arg8[%parallel_loop3A_456, %parallel_loop3A_457, %parallel_loop3A_458], %parallel_loop3A_461 {strides = array<i32>} : memref<4x64x128xf32, #tpu.memory_space<vmem>>, vector<1x1x16xf32>,
        %parallel_loop3A_462 = arith.addf %parallel_loop3A_453, %parallel_loop3A_391 : vector<16xf32>
        %parallel_loop3A_463 = arith.constant 1 : i32
        %parallel_loop3A_464 = arith.index_cast %parallel_loop3A_463 : i32 to index
        %parallel_loop3A_465 = arith.index_cast %parallel_loop3A_381 : i32 to index
        %parallel_loop3A_466 = arith.constant 16 : index
        %parallel_loop3A_467 = tpu.vector_load %arg8[%parallel_loop3A_464, %parallel_loop3A_465, %parallel_loop3A_466] {strides = array<i32>} : memref<4x64x128xf32, #tpu.memory_space<vmem>>, vector<1x1x16xf32>,
        %parallel_loop3A_468 = vector.shape_cast %parallel_loop3A_467 : vector<1x1x16xf32> to vector<16xf32>
        %parallel_loop3A_469 = vector.shape_cast %parallel_loop3A_462 : vector<16xf32> to vector<1x1x16xf32>
        tpu.vector_store %arg8[%parallel_loop3A_464, %parallel_loop3A_465, %parallel_loop3A_466], %parallel_loop3A_469 {strides = array<i32>} : memref<4x64x128xf32, #tpu.memory_space<vmem>>, vector<1x1x16xf32>,
        %parallel_loop3A_470 = arith.addf %parallel_loop3A_453, %parallel_loop3A_399 : vector<16xf32>
        %parallel_loop3A_471 = arith.constant 2 : i32
        %parallel_loop3A_472 = arith.index_cast %parallel_loop3A_471 : i32 to index
        %parallel_loop3A_473 = arith.index_cast %parallel_loop3A_381 : i32 to index
        %parallel_loop3A_474 = arith.constant 16 : index
        %parallel_loop3A_475 = tpu.vector_load %arg8[%parallel_loop3A_472, %parallel_loop3A_473, %parallel_loop3A_474] {strides = array<i32>} : memref<4x64x128xf32, #tpu.memory_space<vmem>>, vector<1x1x16xf32>,
        %parallel_loop3A_476 = vector.shape_cast %parallel_loop3A_475 : vector<1x1x16xf32> to vector<16xf32>
        %parallel_loop3A_477 = vector.shape_cast %parallel_loop3A_470 : vector<16xf32> to vector<1x1x16xf32>
        tpu.vector_store %arg8[%parallel_loop3A_472, %parallel_loop3A_473, %parallel_loop3A_474], %parallel_loop3A_477 {strides = array<i32>} : memref<4x64x128xf32, #tpu.memory_space<vmem>>, vector<1x1x16xf32>,
        %parallel_loop3A_478 = arith.addf %parallel_loop3A_453, %parallel_loop3A_407 : vector<16xf32>
        %parallel_loop3A_479 = arith.constant 3 : i32
        %parallel_loop3A_480 = arith.index_cast %parallel_loop3A_479 : i32 to index
        %parallel_loop3A_481 = arith.index_cast %parallel_loop3A_381 : i32 to index
        %parallel_loop3A_482 = arith.constant 16 : index
        %parallel_loop3A_483 = tpu.vector_load %arg8[%parallel_loop3A_480, %parallel_loop3A_481, %parallel_loop3A_482] {strides = array<i32>} : memref<4x64x128xf32, #tpu.memory_space<vmem>>, vector<1x1x16xf32>,
        %parallel_loop3A_484 = vector.shape_cast %parallel_loop3A_483 : vector<1x1x16xf32> to vector<16xf32>
        %parallel_loop3A_485 = vector.shape_cast %parallel_loop3A_478 : vector<16xf32> to vector<1x1x16xf32>
        tpu.vector_store %arg8[%parallel_loop3A_480, %parallel_loop3A_481, %parallel_loop3A_482], %parallel_loop3A_485 {strides = array<i32>} : memref<4x64x128xf32, #tpu.memory_space<vmem>>, vector<1x1x16xf32>,
        %parallel_loop3A_486 = arith.index_cast %parallel_loop3A_381 : i32 to index
        %parallel_loop3A_487 = arith.constant 32 : index
        %parallel_loop3A_488 = tpu.vector_load %arg5[%parallel_loop3A_486, %parallel_loop3A_487] {strides = array<i32>} : memref<64x128xf32, #tpu.memory_space<vmem>>, vector<1x16xf32>,
        %parallel_loop3A_489 = vector.shape_cast %parallel_loop3A_488 : vector<1x16xf32> to vector<16xf32>
        %parallel_loop3A_490 = arith.addf %parallel_loop3A_489, %parallel_loop3A_384 : vector<16xf32>
        %parallel_loop3A_491 = arith.constant 0 : i32
        %parallel_loop3A_492 = arith.index_cast %parallel_loop3A_491 : i32 to index
        %parallel_loop3A_493 = arith.index_cast %parallel_loop3A_381 : i32 to index
        %parallel_loop3A_494 = arith.constant 32 : index
        %parallel_loop3A_495 = tpu.vector_load %arg8[%parallel_loop3A_492, %parallel_loop3A_493, %parallel_loop3A_494] {strides = array<i32>} : memref<4x64x128xf32, #tpu.memory_space<vmem>>, vector<1x1x16xf32>,
        %parallel_loop3A_496 = vector.shape_cast %parallel_loop3A_495 : vector<1x1x16xf32> to vector<16xf32>
        %parallel_loop3A_497 = vector.shape_cast %parallel_loop3A_490 : vector<16xf32> to vector<1x1x16xf32>
        tpu.vector_store %arg8[%parallel_loop3A_492, %parallel_loop3A_493, %parallel_loop3A_494], %parallel_loop3A_497 {strides = array<i32>} : memref<4x64x128xf32, #tpu.memory_space<vmem>>, vector<1x1x16xf32>,
        %parallel_loop3A_498 = arith.addf %parallel_loop3A_489, %parallel_loop3A_392 : vector<16xf32>
        %parallel_loop3A_499 = arith.constant 1 : i32
        %parallel_loop3A_500 = arith.index_cast %parallel_loop3A_499 : i32 to index
        %parallel_loop3A_501 = arith.index_cast %parallel_loop3A_381 : i32 to index
        %parallel_loop3A_502 = arith.constant 32 : index
        %parallel_loop3A_503 = tpu.vector_load %arg8[%parallel_loop3A_500, %parallel_loop3A_501, %parallel_loop3A_502] {strides = array<i32>} : memref<4x64x128xf32, #tpu.memory_space<vmem>>, vector<1x1x16xf32>,
        %parallel_loop3A_504 = vector.shape_cast %parallel_loop3A_503 : vector<1x1x16xf32> to vector<16xf32>
        %parallel_loop3A_505 = vector.shape_cast %parallel_loop3A_498 : vector<16xf32> to vector<1x1x16xf32>
        tpu.vector_store %arg8[%parallel_loop3A_500, %parallel_loop3A_501, %parallel_loop3A_502], %parallel_loop3A_505 {strides = array<i32>} : memref<4x64x128xf32, #tpu.memory_space<vmem>>, vector<1x1x16xf32>,
        %parallel_loop3A_506 = arith.addf %parallel_loop3A_489, %parallel_loop3A_400 : vector<16xf32>
        %parallel_loop3A_507 = arith.constant 2 : i32
        %parallel_loop3A_508 = arith.index_cast %parallel_loop3A_507 : i32 to index
        %parallel_loop3A_509 = arith.index_cast %parallel_loop3A_381 : i32 to index
        %parallel_loop3A_510 = arith.constant 32 : index
        %parallel_loop3A_511 = tpu.vector_load %arg8[%parallel_loop3A_508, %parallel_loop3A_509, %parallel_loop3A_510] {strides = array<i32>} : memref<4x64x128xf32, #tpu.memory_space<vmem>>, vector<1x1x16xf32>,
        %parallel_loop3A_512 = vector.shape_cast %parallel_loop3A_511 : vector<1x1x16xf32> to vector<16xf32>
        %parallel_loop3A_513 = vector.shape_cast %parallel_loop3A_506 : vector<16xf32> to vector<1x1x16xf32>
        tpu.vector_store %arg8[%parallel_loop3A_508, %parallel_loop3A_509, %parallel_loop3A_510], %parallel_loop3A_513 {strides = array<i32>} : memref<4x64x128xf32, #tpu.memory_space<vmem>>, vector<1x1x16xf32>,
        %parallel_loop3A_514 = arith.addf %parallel_loop3A_489, %parallel_loop3A_408 : vector<16xf32>
        %parallel_loop3A_515 = arith.constant 3 : i32
        %parallel_loop3A_516 = arith.index_cast %parallel_loop3A_515 : i32 to index
        %parallel_loop3A_517 = arith.index_cast %parallel_loop3A_381 : i32 to index
        %parallel_loop3A_518 = arith.constant 32 : index
        %parallel_loop3A_519 = tpu.vector_load %arg8[%parallel_loop3A_516, %parallel_loop3A_517, %parallel_loop3A_518] {strides = array<i32>} : memref<4x64x128xf32, #tpu.memory_space<vmem>>, vector<1x1x16xf32>,
        %parallel_loop3A_520 = vector.shape_cast %parallel_loop3A_519 : vector<1x1x16xf32> to vector<16xf32>
        %parallel_loop3A_521 = vector.shape_cast %parallel_loop3A_514 : vector<16xf32> to vector<1x1x16xf32>
        tpu.vector_store %arg8[%parallel_loop3A_516, %parallel_loop3A_517, %parallel_loop3A_518], %parallel_loop3A_521 {strides = array<i32>} : memref<4x64x128xf32, #tpu.memory_space<vmem>>, vector<1x1x16xf32>,
        %parallel_loop3A_522 = arith.index_cast %parallel_loop3A_381 : i32 to index
        %parallel_loop3A_523 = arith.constant 48 : index
        %parallel_loop3A_524 = tpu.vector_load %arg5[%parallel_loop3A_522, %parallel_loop3A_523] {strides = array<i32>} : memref<64x128xf32, #tpu.memory_space<vmem>>, vector<1x16xf32>,
        %parallel_loop3A_525 = vector.shape_cast %parallel_loop3A_524 : vector<1x16xf32> to vector<16xf32>
        %parallel_loop3A_526 = arith.addf %parallel_loop3A_525, %parallel_loop3A_385 : vector<16xf32>
        %parallel_loop3A_527 = arith.constant 0 : i32
        %parallel_loop3A_528 = arith.index_cast %parallel_loop3A_527 : i32 to index
        %parallel_loop3A_529 = arith.index_cast %parallel_loop3A_381 : i32 to index
        %parallel_loop3A_530 = arith.constant 48 : index
        %parallel_loop3A_531 = tpu.vector_load %arg8[%parallel_loop3A_528, %parallel_loop3A_529, %parallel_loop3A_530] {strides = array<i32>} : memref<4x64x128xf32, #tpu.memory_space<vmem>>, vector<1x1x16xf32>,
        %parallel_loop3A_532 = vector.shape_cast %parallel_loop3A_531 : vector<1x1x16xf32> to vector<16xf32>
        %parallel_loop3A_533 = vector.shape_cast %parallel_loop3A_526 : vector<16xf32> to vector<1x1x16xf32>
        tpu.vector_store %arg8[%parallel_loop3A_528, %parallel_loop3A_529, %parallel_loop3A_530], %parallel_loop3A_533 {strides = array<i32>} : memref<4x64x128xf32, #tpu.memory_space<vmem>>, vector<1x1x16xf32>,
        %parallel_loop3A_534 = arith.addf %parallel_loop3A_525, %parallel_loop3A_393 : vector<16xf32>
        %parallel_loop3A_535 = arith.constant 1 : i32
        %parallel_loop3A_536 = arith.index_cast %parallel_loop3A_535 : i32 to index
        %parallel_loop3A_537 = arith.index_cast %parallel_loop3A_381 : i32 to index
        %parallel_loop3A_538 = arith.constant 48 : index
        %parallel_loop3A_539 = tpu.vector_load %arg8[%parallel_loop3A_536, %parallel_loop3A_537, %parallel_loop3A_538] {strides = array<i32>} : memref<4x64x128xf32, #tpu.memory_space<vmem>>, vector<1x1x16xf32>,
        %parallel_loop3A_540 = vector.shape_cast %parallel_loop3A_539 : vector<1x1x16xf32> to vector<16xf32>
        %parallel_loop3A_541 = vector.shape_cast %parallel_loop3A_534 : vector<16xf32> to vector<1x1x16xf32>
        tpu.vector_store %arg8[%parallel_loop3A_536, %parallel_loop3A_537, %parallel_loop3A_538], %parallel_loop3A_541 {strides = array<i32>} : memref<4x64x128xf32, #tpu.memory_space<vmem>>, vector<1x1x16xf32>,
        %parallel_loop3A_542 = arith.addf %parallel_loop3A_525, %parallel_loop3A_401 : vector<16xf32>
        %parallel_loop3A_543 = arith.constant 2 : i32
        %parallel_loop3A_544 = arith.index_cast %parallel_loop3A_543 : i32 to index
        %parallel_loop3A_545 = arith.index_cast %parallel_loop3A_381 : i32 to index
        %parallel_loop3A_546 = arith.constant 48 : index
        %parallel_loop3A_547 = tpu.vector_load %arg8[%parallel_loop3A_544, %parallel_loop3A_545, %parallel_loop3A_546] {strides = array<i32>} : memref<4x64x128xf32, #tpu.memory_space<vmem>>, vector<1x1x16xf32>,
        %parallel_loop3A_548 = vector.shape_cast %parallel_loop3A_547 : vector<1x1x16xf32> to vector<16xf32>
        %parallel_loop3A_549 = vector.shape_cast %parallel_loop3A_542 : vector<16xf32> to vector<1x1x16xf32>
        tpu.vector_store %arg8[%parallel_loop3A_544, %parallel_loop3A_545, %parallel_loop3A_546], %parallel_loop3A_549 {strides = array<i32>} : memref<4x64x128xf32, #tpu.memory_space<vmem>>, vector<1x1x16xf32>,
        %parallel_loop3A_550 = arith.addf %parallel_loop3A_525, %parallel_loop3A_409 : vector<16xf32>
        %parallel_loop3A_551 = arith.constant 3 : i32
        %parallel_loop3A_552 = arith.index_cast %parallel_loop3A_551 : i32 to index
        %parallel_loop3A_553 = arith.index_cast %parallel_loop3A_381 : i32 to index
        %parallel_loop3A_554 = arith.constant 48 : index
        %parallel_loop3A_555 = tpu.vector_load %arg8[%parallel_loop3A_552, %parallel_loop3A_553, %parallel_loop3A_554] {strides = array<i32>} : memref<4x64x128xf32, #tpu.memory_space<vmem>>, vector<1x1x16xf32>,
        %parallel_loop3A_556 = vector.shape_cast %parallel_loop3A_555 : vector<1x1x16xf32> to vector<16xf32>
        %parallel_loop3A_557 = vector.shape_cast %parallel_loop3A_550 : vector<16xf32> to vector<1x1x16xf32>
        tpu.vector_store %arg8[%parallel_loop3A_552, %parallel_loop3A_553, %parallel_loop3A_554], %parallel_loop3A_557 {strides = array<i32>} : memref<4x64x128xf32, #tpu.memory_space<vmem>>, vector<1x1x16xf32>,
        %parallel_loop3A_558 = arith.index_cast %parallel_loop3A_381 : i32 to index
        %parallel_loop3A_559 = arith.constant 64 : index
        %parallel_loop3A_560 = tpu.vector_load %arg5[%parallel_loop3A_558, %parallel_loop3A_559] {strides = array<i32>} : memref<64x128xf32, #tpu.memory_space<vmem>>, vector<1x16xf32>,
        %parallel_loop3A_561 = vector.shape_cast %parallel_loop3A_560 : vector<1x16xf32> to vector<16xf32>
        %parallel_loop3A_562 = arith.addf %parallel_loop3A_561, %parallel_loop3A_386 : vector<16xf32>
        %parallel_loop3A_563 = arith.constant 0 : i32
        %parallel_loop3A_564 = arith.index_cast %parallel_loop3A_563 : i32 to index
        %parallel_loop3A_565 = arith.index_cast %parallel_loop3A_381 : i32 to index
        %parallel_loop3A_566 = arith.constant 64 : index
        %parallel_loop3A_567 = tpu.vector_load %arg8[%parallel_loop3A_564, %parallel_loop3A_565, %parallel_loop3A_566] {strides = array<i32>} : memref<4x64x128xf32, #tpu.memory_space<vmem>>, vector<1x1x16xf32>,
        %parallel_loop3A_568 = vector.shape_cast %parallel_loop3A_567 : vector<1x1x16xf32> to vector<16xf32>
        %parallel_loop3A_569 = vector.shape_cast %parallel_loop3A_562 : vector<16xf32> to vector<1x1x16xf32>
        tpu.vector_store %arg8[%parallel_loop3A_564, %parallel_loop3A_565, %parallel_loop3A_566], %parallel_loop3A_569 {strides = array<i32>} : memref<4x64x128xf32, #tpu.memory_space<vmem>>, vector<1x1x16xf32>,
        %parallel_loop3A_570 = arith.addf %parallel_loop3A_561, %parallel_loop3A_394 : vector<16xf32>
        %parallel_loop3A_571 = arith.constant 1 : i32
        %parallel_loop3A_572 = arith.index_cast %parallel_loop3A_571 : i32 to index
        %parallel_loop3A_573 = arith.index_cast %parallel_loop3A_381 : i32 to index
        %parallel_loop3A_574 = arith.constant 64 : index
        %parallel_loop3A_575 = tpu.vector_load %arg8[%parallel_loop3A_572, %parallel_loop3A_573, %parallel_loop3A_574] {strides = array<i32>} : memref<4x64x128xf32, #tpu.memory_space<vmem>>, vector<1x1x16xf32>,
        %parallel_loop3A_576 = vector.shape_cast %parallel_loop3A_575 : vector<1x1x16xf32> to vector<16xf32>
        %parallel_loop3A_577 = vector.shape_cast %parallel_loop3A_570 : vector<16xf32> to vector<1x1x16xf32>
        tpu.vector_store %arg8[%parallel_loop3A_572, %parallel_loop3A_573, %parallel_loop3A_574], %parallel_loop3A_577 {strides = array<i32>} : memref<4x64x128xf32, #tpu.memory_space<vmem>>, vector<1x1x16xf32>,
        %parallel_loop3A_578 = arith.addf %parallel_loop3A_561, %parallel_loop3A_402 : vector<16xf32>
        %parallel_loop3A_579 = arith.constant 2 : i32
        %parallel_loop3A_580 = arith.index_cast %parallel_loop3A_579 : i32 to index
        %parallel_loop3A_581 = arith.index_cast %parallel_loop3A_381 : i32 to index
        %parallel_loop3A_582 = arith.constant 64 : index
        %parallel_loop3A_583 = tpu.vector_load %arg8[%parallel_loop3A_580, %parallel_loop3A_581, %parallel_loop3A_582] {strides = array<i32>} : memref<4x64x128xf32, #tpu.memory_space<vmem>>, vector<1x1x16xf32>,
        %parallel_loop3A_584 = vector.shape_cast %parallel_loop3A_583 : vector<1x1x16xf32> to vector<16xf32>
        %parallel_loop3A_585 = vector.shape_cast %parallel_loop3A_578 : vector<16xf32> to vector<1x1x16xf32>
        tpu.vector_store %arg8[%parallel_loop3A_580, %parallel_loop3A_581, %parallel_loop3A_582], %parallel_loop3A_585 {strides = array<i32>} : memref<4x64x128xf32, #tpu.memory_space<vmem>>, vector<1x1x16xf32>,
        %parallel_loop3A_586 = arith.addf %parallel_loop3A_561, %parallel_loop3A_410 : vector<16xf32>
        %parallel_loop3A_587 = arith.constant 3 : i32
        %parallel_loop3A_588 = arith.index_cast %parallel_loop3A_587 : i32 to index
        %parallel_loop3A_589 = arith.index_cast %parallel_loop3A_381 : i32 to index
        %parallel_loop3A_590 = arith.constant 64 : index
        %parallel_loop3A_591 = tpu.vector_load %arg8[%parallel_loop3A_588, %parallel_loop3A_589, %parallel_loop3A_590] {strides = array<i32>} : memref<4x64x128xf32, #tpu.memory_space<vmem>>, vector<1x1x16xf32>,
        %parallel_loop3A_592 = vector.shape_cast %parallel_loop3A_591 : vector<1x1x16xf32> to vector<16xf32>
        %parallel_loop3A_593 = vector.shape_cast %parallel_loop3A_586 : vector<16xf32> to vector<1x1x16xf32>
        tpu.vector_store %arg8[%parallel_loop3A_588, %parallel_loop3A_589, %parallel_loop3A_590], %parallel_loop3A_593 {strides = array<i32>} : memref<4x64x128xf32, #tpu.memory_space<vmem>>, vector<1x1x16xf32>,
        %parallel_loop3A_594 = arith.index_cast %parallel_loop3A_381 : i32 to index
        %parallel_loop3A_595 = arith.constant 80 : index
        %parallel_loop3A_596 = tpu.vector_load %arg5[%parallel_loop3A_594, %parallel_loop3A_595] {strides = array<i32>} : memref<64x128xf32, #tpu.memory_space<vmem>>, vector<1x16xf32>,
        %parallel_loop3A_597 = vector.shape_cast %parallel_loop3A_596 : vector<1x16xf32> to vector<16xf32>
        %parallel_loop3A_598 = arith.addf %parallel_loop3A_597, %parallel_loop3A_387 : vector<16xf32>
        %parallel_loop3A_599 = arith.constant 0 : i32
        %parallel_loop3A_600 = arith.index_cast %parallel_loop3A_599 : i32 to index
        %parallel_loop3A_601 = arith.index_cast %parallel_loop3A_381 : i32 to index
        %parallel_loop3A_602 = arith.constant 80 : index
        %parallel_loop3A_603 = tpu.vector_load %arg8[%parallel_loop3A_600, %parallel_loop3A_601, %parallel_loop3A_602] {strides = array<i32>} : memref<4x64x128xf32, #tpu.memory_space<vmem>>, vector<1x1x16xf32>,
        %parallel_loop3A_604 = vector.shape_cast %parallel_loop3A_603 : vector<1x1x16xf32> to vector<16xf32>
        %parallel_loop3A_605 = vector.shape_cast %parallel_loop3A_598 : vector<16xf32> to vector<1x1x16xf32>
        tpu.vector_store %arg8[%parallel_loop3A_600, %parallel_loop3A_601, %parallel_loop3A_602], %parallel_loop3A_605 {strides = array<i32>} : memref<4x64x128xf32, #tpu.memory_space<vmem>>, vector<1x1x16xf32>,
        %parallel_loop3A_606 = arith.addf %parallel_loop3A_597, %parallel_loop3A_395 : vector<16xf32>
        %parallel_loop3A_607 = arith.constant 1 : i32
        %parallel_loop3A_608 = arith.index_cast %parallel_loop3A_607 : i32 to index
        %parallel_loop3A_609 = arith.index_cast %parallel_loop3A_381 : i32 to index
        %parallel_loop3A_610 = arith.constant 80 : index
        %parallel_loop3A_611 = tpu.vector_load %arg8[%parallel_loop3A_608, %parallel_loop3A_609, %parallel_loop3A_610] {strides = array<i32>} : memref<4x64x128xf32, #tpu.memory_space<vmem>>, vector<1x1x16xf32>,
        %parallel_loop3A_612 = vector.shape_cast %parallel_loop3A_611 : vector<1x1x16xf32> to vector<16xf32>
        %parallel_loop3A_613 = vector.shape_cast %parallel_loop3A_606 : vector<16xf32> to vector<1x1x16xf32>
        tpu.vector_store %arg8[%parallel_loop3A_608, %parallel_loop3A_609, %parallel_loop3A_610], %parallel_loop3A_613 {strides = array<i32>} : memref<4x64x128xf32, #tpu.memory_space<vmem>>, vector<1x1x16xf32>,
        %parallel_loop3A_614 = arith.addf %parallel_loop3A_597, %parallel_loop3A_403 : vector<16xf32>
        %parallel_loop3A_615 = arith.constant 2 : i32
        %parallel_loop3A_616 = arith.index_cast %parallel_loop3A_615 : i32 to index
        %parallel_loop3A_617 = arith.index_cast %parallel_loop3A_381 : i32 to index
        %parallel_loop3A_618 = arith.constant 80 : index
        %parallel_loop3A_619 = tpu.vector_load %arg8[%parallel_loop3A_616, %parallel_loop3A_617, %parallel_loop3A_618] {strides = array<i32>} : memref<4x64x128xf32, #tpu.memory_space<vmem>>, vector<1x1x16xf32>,
        %parallel_loop3A_620 = vector.shape_cast %parallel_loop3A_619 : vector<1x1x16xf32> to vector<16xf32>
        %parallel_loop3A_621 = vector.shape_cast %parallel_loop3A_614 : vector<16xf32> to vector<1x1x16xf32>
        tpu.vector_store %arg8[%parallel_loop3A_616, %parallel_loop3A_617, %parallel_loop3A_618], %parallel_loop3A_621 {strides = array<i32>} : memref<4x64x128xf32, #tpu.memory_space<vmem>>, vector<1x1x16xf32>,
        %parallel_loop3A_622 = arith.addf %parallel_loop3A_597, %parallel_loop3A_411 : vector<16xf32>
        %parallel_loop3A_623 = arith.constant 3 : i32
        %parallel_loop3A_624 = arith.index_cast %parallel_loop3A_623 : i32 to index
        %parallel_loop3A_625 = arith.index_cast %parallel_loop3A_381 : i32 to index
        %parallel_loop3A_626 = arith.constant 80 : index
        %parallel_loop3A_627 = tpu.vector_load %arg8[%parallel_loop3A_624, %parallel_loop3A_625, %parallel_loop3A_626] {strides = array<i32>} : memref<4x64x128xf32, #tpu.memory_space<vmem>>, vector<1x1x16xf32>,
        %parallel_loop3A_628 = vector.shape_cast %parallel_loop3A_627 : vector<1x1x16xf32> to vector<16xf32>
        %parallel_loop3A_629 = vector.shape_cast %parallel_loop3A_622 : vector<16xf32> to vector<1x1x16xf32>
        tpu.vector_store %arg8[%parallel_loop3A_624, %parallel_loop3A_625, %parallel_loop3A_626], %parallel_loop3A_629 {strides = array<i32>} : memref<4x64x128xf32, #tpu.memory_space<vmem>>, vector<1x1x16xf32>,
        %parallel_loop3A_630 = arith.index_cast %parallel_loop3A_381 : i32 to index
        %parallel_loop3A_631 = arith.constant 96 : index
        %parallel_loop3A_632 = tpu.vector_load %arg5[%parallel_loop3A_630, %parallel_loop3A_631] {strides = array<i32>} : memref<64x128xf32, #tpu.memory_space<vmem>>, vector<1x16xf32>,
        %parallel_loop3A_633 = vector.shape_cast %parallel_loop3A_632 : vector<1x16xf32> to vector<16xf32>
        %parallel_loop3A_634 = arith.addf %parallel_loop3A_633, %parallel_loop3A_388 : vector<16xf32>
        %parallel_loop3A_635 = arith.constant 0 : i32
        %parallel_loop3A_636 = arith.index_cast %parallel_loop3A_635 : i32 to index
        %parallel_loop3A_637 = arith.index_cast %parallel_loop3A_381 : i32 to index
        %parallel_loop3A_638 = arith.constant 96 : index
        %parallel_loop3A_639 = tpu.vector_load %arg8[%parallel_loop3A_636, %parallel_loop3A_637, %parallel_loop3A_638] {strides = array<i32>} : memref<4x64x128xf32, #tpu.memory_space<vmem>>, vector<1x1x16xf32>,
        %parallel_loop3A_640 = vector.shape_cast %parallel_loop3A_639 : vector<1x1x16xf32> to vector<16xf32>
        %parallel_loop3A_641 = vector.shape_cast %parallel_loop3A_634 : vector<16xf32> to vector<1x1x16xf32>
        tpu.vector_store %arg8[%parallel_loop3A_636, %parallel_loop3A_637, %parallel_loop3A_638], %parallel_loop3A_641 {strides = array<i32>} : memref<4x64x128xf32, #tpu.memory_space<vmem>>, vector<1x1x16xf32>,
        %parallel_loop3A_642 = arith.addf %parallel_loop3A_633, %parallel_loop3A_396 : vector<16xf32>
        %parallel_loop3A_643 = arith.constant 1 : i32
        %parallel_loop3A_644 = arith.index_cast %parallel_loop3A_643 : i32 to index
        %parallel_loop3A_645 = arith.index_cast %parallel_loop3A_381 : i32 to index
        %parallel_loop3A_646 = arith.constant 96 : index
        %parallel_loop3A_647 = tpu.vector_load %arg8[%parallel_loop3A_644, %parallel_loop3A_645, %parallel_loop3A_646] {strides = array<i32>} : memref<4x64x128xf32, #tpu.memory_space<vmem>>, vector<1x1x16xf32>,
        %parallel_loop3A_648 = vector.shape_cast %parallel_loop3A_647 : vector<1x1x16xf32> to vector<16xf32>
        %parallel_loop3A_649 = vector.shape_cast %parallel_loop3A_642 : vector<16xf32> to vector<1x1x16xf32>
        tpu.vector_store %arg8[%parallel_loop3A_644, %parallel_loop3A_645, %parallel_loop3A_646], %parallel_loop3A_649 {strides = array<i32>} : memref<4x64x128xf32, #tpu.memory_space<vmem>>, vector<1x1x16xf32>,
        %parallel_loop3A_650 = arith.addf %parallel_loop3A_633, %parallel_loop3A_404 : vector<16xf32>
        %parallel_loop3A_651 = arith.constant 2 : i32
        %parallel_loop3A_652 = arith.index_cast %parallel_loop3A_651 : i32 to index
        %parallel_loop3A_653 = arith.index_cast %parallel_loop3A_381 : i32 to index
        %parallel_loop3A_654 = arith.constant 96 : index
        %parallel_loop3A_655 = tpu.vector_load %arg8[%parallel_loop3A_652, %parallel_loop3A_653, %parallel_loop3A_654] {strides = array<i32>} : memref<4x64x128xf32, #tpu.memory_space<vmem>>, vector<1x1x16xf32>,
        %parallel_loop3A_656 = vector.shape_cast %parallel_loop3A_655 : vector<1x1x16xf32> to vector<16xf32>
        %parallel_loop3A_657 = vector.shape_cast %parallel_loop3A_650 : vector<16xf32> to vector<1x1x16xf32>
        tpu.vector_store %arg8[%parallel_loop3A_652, %parallel_loop3A_653, %parallel_loop3A_654], %parallel_loop3A_657 {strides = array<i32>} : memref<4x64x128xf32, #tpu.memory_space<vmem>>, vector<1x1x16xf32>,
        %parallel_loop3A_658 = arith.addf %parallel_loop3A_633, %parallel_loop3A_412 : vector<16xf32>
        %parallel_loop3A_659 = arith.constant 3 : i32
        %parallel_loop3A_660 = arith.index_cast %parallel_loop3A_659 : i32 to index
        %parallel_loop3A_661 = arith.index_cast %parallel_loop3A_381 : i32 to index
        %parallel_loop3A_662 = arith.constant 96 : index
        %parallel_loop3A_663 = tpu.vector_load %arg8[%parallel_loop3A_660, %parallel_loop3A_661, %parallel_loop3A_662] {strides = array<i32>} : memref<4x64x128xf32, #tpu.memory_space<vmem>>, vector<1x1x16xf32>,
        %parallel_loop3A_664 = vector.shape_cast %parallel_loop3A_663 : vector<1x1x16xf32> to vector<16xf32>
        %parallel_loop3A_665 = vector.shape_cast %parallel_loop3A_658 : vector<16xf32> to vector<1x1x16xf32>
        tpu.vector_store %arg8[%parallel_loop3A_660, %parallel_loop3A_661, %parallel_loop3A_662], %parallel_loop3A_665 {strides = array<i32>} : memref<4x64x128xf32, #tpu.memory_space<vmem>>, vector<1x1x16xf32>,
        %parallel_loop3A_666 = arith.index_cast %parallel_loop3A_381 : i32 to index
        %parallel_loop3A_667 = arith.constant 112 : index
        %parallel_loop3A_668 = tpu.vector_load %arg5[%parallel_loop3A_666, %parallel_loop3A_667] {strides = array<i32>} : memref<64x128xf32, #tpu.memory_space<vmem>>, vector<1x16xf32>,
        %parallel_loop3A_669 = vector.shape_cast %parallel_loop3A_668 : vector<1x16xf32> to vector<16xf32>
        %parallel_loop3A_670 = arith.addf %parallel_loop3A_669, %parallel_loop3A_389 : vector<16xf32>
        %parallel_loop3A_671 = arith.constant 0 : i32
        %parallel_loop3A_672 = arith.index_cast %parallel_loop3A_671 : i32 to index
        %parallel_loop3A_673 = arith.index_cast %parallel_loop3A_381 : i32 to index
        %parallel_loop3A_674 = arith.constant 112 : index
        %parallel_loop3A_675 = tpu.vector_load %arg8[%parallel_loop3A_672, %parallel_loop3A_673, %parallel_loop3A_674] {strides = array<i32>} : memref<4x64x128xf32, #tpu.memory_space<vmem>>, vector<1x1x16xf32>,
        %parallel_loop3A_676 = vector.shape_cast %parallel_loop3A_675 : vector<1x1x16xf32> to vector<16xf32>
        %parallel_loop3A_677 = vector.shape_cast %parallel_loop3A_670 : vector<16xf32> to vector<1x1x16xf32>
        tpu.vector_store %arg8[%parallel_loop3A_672, %parallel_loop3A_673, %parallel_loop3A_674], %parallel_loop3A_677 {strides = array<i32>} : memref<4x64x128xf32, #tpu.memory_space<vmem>>, vector<1x1x16xf32>,
        %parallel_loop3A_678 = arith.addf %parallel_loop3A_669, %parallel_loop3A_397 : vector<16xf32>
        %parallel_loop3A_679 = arith.constant 1 : i32
        %parallel_loop3A_680 = arith.index_cast %parallel_loop3A_679 : i32 to index
        %parallel_loop3A_681 = arith.index_cast %parallel_loop3A_381 : i32 to index
        %parallel_loop3A_682 = arith.constant 112 : index
        %parallel_loop3A_683 = tpu.vector_load %arg8[%parallel_loop3A_680, %parallel_loop3A_681, %parallel_loop3A_682] {strides = array<i32>} : memref<4x64x128xf32, #tpu.memory_space<vmem>>, vector<1x1x16xf32>,
        %parallel_loop3A_684 = vector.shape_cast %parallel_loop3A_683 : vector<1x1x16xf32> to vector<16xf32>
        %parallel_loop3A_685 = vector.shape_cast %parallel_loop3A_678 : vector<16xf32> to vector<1x1x16xf32>
        tpu.vector_store %arg8[%parallel_loop3A_680, %parallel_loop3A_681, %parallel_loop3A_682], %parallel_loop3A_685 {strides = array<i32>} : memref<4x64x128xf32, #tpu.memory_space<vmem>>, vector<1x1x16xf32>,
        %parallel_loop3A_686 = arith.addf %parallel_loop3A_669, %parallel_loop3A_405 : vector<16xf32>
        %parallel_loop3A_687 = arith.constant 2 : i32
        %parallel_loop3A_688 = arith.index_cast %parallel_loop3A_687 : i32 to index
        %parallel_loop3A_689 = arith.index_cast %parallel_loop3A_381 : i32 to index
        %parallel_loop3A_690 = arith.constant 112 : index
        %parallel_loop3A_691 = tpu.vector_load %arg8[%parallel_loop3A_688, %parallel_loop3A_689, %parallel_loop3A_690] {strides = array<i32>} : memref<4x64x128xf32, #tpu.memory_space<vmem>>, vector<1x1x16xf32>,
        %parallel_loop3A_692 = vector.shape_cast %parallel_loop3A_691 : vector<1x1x16xf32> to vector<16xf32>
        %parallel_loop3A_693 = vector.shape_cast %parallel_loop3A_686 : vector<16xf32> to vector<1x1x16xf32>
        tpu.vector_store %arg8[%parallel_loop3A_688, %parallel_loop3A_689, %parallel_loop3A_690], %parallel_loop3A_693 {strides = array<i32>} : memref<4x64x128xf32, #tpu.memory_space<vmem>>, vector<1x1x16xf32>,
        %parallel_loop3A_694 = arith.addf %parallel_loop3A_669, %parallel_loop3A_413 : vector<16xf32>
        %parallel_loop3A_695 = arith.constant 3 : i32
        %parallel_loop3A_696 = arith.index_cast %parallel_loop3A_695 : i32 to index
        %parallel_loop3A_697 = arith.index_cast %parallel_loop3A_381 : i32 to index
        %parallel_loop3A_698 = arith.constant 112 : index
        %parallel_loop3A_699 = tpu.vector_load %arg8[%parallel_loop3A_696, %parallel_loop3A_697, %parallel_loop3A_698] {strides = array<i32>} : memref<4x64x128xf32, #tpu.memory_space<vmem>>, vector<1x1x16xf32>,
        %parallel_loop3A_700 = vector.shape_cast %parallel_loop3A_699 : vector<1x1x16xf32> to vector<16xf32>
        %parallel_loop3A_701 = vector.shape_cast %parallel_loop3A_694 : vector<16xf32> to vector<1x1x16xf32>
        tpu.vector_store %arg8[%parallel_loop3A_696, %parallel_loop3A_697, %parallel_loop3A_698], %parallel_loop3A_701 {strides = array<i32>} : memref<4x64x128xf32, #tpu.memory_space<vmem>>, vector<1x1x16xf32>,
        %parallel_loop3A_702 = arith.constant 62 : i32
        %parallel_loop3A_703 = arith.subi %parallel_loop3A_702, %parallel_loop3A_381 : i32
        %parallel_loop3A_704 = arith.constant 0 : i32
        %parallel_loop3A_705 = arith.maxsi %parallel_loop3A_703, %parallel_loop3A_704 : i32
        %parallel_loop3A_706 = arith.constant 128 : i32
        %parallel_loop3A_707 = arith.muli %parallel_loop3A_705, %parallel_loop3A_706 : i32
        %parallel_loop3A_708 = arith.constant 0 : i32
        %parallel_loop3A_709 = arith.addi %parallel_loop3A_707, %parallel_loop3A_708 : i32
        %parallel_loop3A_710 = arith.index_cast %parallel_loop3A_709 : i32 to index
        %parallel_loop3A_711 = tpu.vector_load %arg6[%parallel_loop3A_710] {strides = array<i32>} : memref<8576xf32, #tpu.memory_space<vmem>>, vector<16xf32>,
        %parallel_loop3A_712 = vector.shape_cast %parallel_loop3A_711 : vector<16xf32> to vector<16xf32>
        %parallel_loop3A_713 = arith.constant 128 : i32
        %parallel_loop3A_714 = arith.muli %parallel_loop3A_705, %parallel_loop3A_713 : i32
        %parallel_loop3A_715 = arith.constant 16 : i32
        %parallel_loop3A_716 = arith.addi %parallel_loop3A_714, %parallel_loop3A_715 : i32
        %parallel_loop3A_717 = arith.index_cast %parallel_loop3A_716 : i32 to index
        %parallel_loop3A_718 = tpu.vector_load %arg6[%parallel_loop3A_717] {strides = array<i32>} : memref<8576xf32, #tpu.memory_space<vmem>>, vector<16xf32>,
        %parallel_loop3A_719 = vector.shape_cast %parallel_loop3A_718 : vector<16xf32> to vector<16xf32>
        %parallel_loop3A_720 = arith.constant 128 : i32
        %parallel_loop3A_721 = arith.muli %parallel_loop3A_705, %parallel_loop3A_720 : i32
        %parallel_loop3A_722 = arith.constant 32 : i32
        %parallel_loop3A_723 = arith.addi %parallel_loop3A_721, %parallel_loop3A_722 : i32
        %parallel_loop3A_724 = arith.index_cast %parallel_loop3A_723 : i32 to index
        %parallel_loop3A_725 = tpu.vector_load %arg6[%parallel_loop3A_724] {strides = array<i32>} : memref<8576xf32, #tpu.memory_space<vmem>>, vector<16xf32>,
        %parallel_loop3A_726 = vector.shape_cast %parallel_loop3A_725 : vector<16xf32> to vector<16xf32>
        %parallel_loop3A_727 = arith.constant 128 : i32
        %parallel_loop3A_728 = arith.muli %parallel_loop3A_705, %parallel_loop3A_727 : i32
        %parallel_loop3A_729 = arith.constant 48 : i32
        %parallel_loop3A_730 = arith.addi %parallel_loop3A_728, %parallel_loop3A_729 : i32
        %parallel_loop3A_731 = arith.index_cast %parallel_loop3A_730 : i32 to index
        %parallel_loop3A_732 = tpu.vector_load %arg6[%parallel_loop3A_731] {strides = array<i32>} : memref<8576xf32, #tpu.memory_space<vmem>>, vector<16xf32>,
        %parallel_loop3A_733 = vector.shape_cast %parallel_loop3A_732 : vector<16xf32> to vector<16xf32>
        %parallel_loop3A_734 = arith.constant 128 : i32
        %parallel_loop3A_735 = arith.muli %parallel_loop3A_705, %parallel_loop3A_734 : i32
        %parallel_loop3A_736 = arith.constant 64 : i32
        %parallel_loop3A_737 = arith.addi %parallel_loop3A_735, %parallel_loop3A_736 : i32
        %parallel_loop3A_738 = arith.index_cast %parallel_loop3A_737 : i32 to index
        %parallel_loop3A_739 = tpu.vector_load %arg6[%parallel_loop3A_738] {strides = array<i32>} : memref<8576xf32, #tpu.memory_space<vmem>>, vector<16xf32>,
        %parallel_loop3A_740 = vector.shape_cast %parallel_loop3A_739 : vector<16xf32> to vector<16xf32>
        %parallel_loop3A_741 = arith.constant 128 : i32
        %parallel_loop3A_742 = arith.muli %parallel_loop3A_705, %parallel_loop3A_741 : i32
        %parallel_loop3A_743 = arith.constant 80 : i32
        %parallel_loop3A_744 = arith.addi %parallel_loop3A_742, %parallel_loop3A_743 : i32
        %parallel_loop3A_745 = arith.index_cast %parallel_loop3A_744 : i32 to index
        %parallel_loop3A_746 = tpu.vector_load %arg6[%parallel_loop3A_745] {strides = array<i32>} : memref<8576xf32, #tpu.memory_space<vmem>>, vector<16xf32>,
        %parallel_loop3A_747 = vector.shape_cast %parallel_loop3A_746 : vector<16xf32> to vector<16xf32>
        %parallel_loop3A_748 = arith.constant 128 : i32
        %parallel_loop3A_749 = arith.muli %parallel_loop3A_705, %parallel_loop3A_748 : i32
        %parallel_loop3A_750 = arith.constant 96 : i32
        %parallel_loop3A_751 = arith.addi %parallel_loop3A_749, %parallel_loop3A_750 : i32
        %parallel_loop3A_752 = arith.index_cast %parallel_loop3A_751 : i32 to index
        %parallel_loop3A_753 = tpu.vector_load %arg6[%parallel_loop3A_752] {strides = array<i32>} : memref<8576xf32, #tpu.memory_space<vmem>>, vector<16xf32>,
        %parallel_loop3A_754 = vector.shape_cast %parallel_loop3A_753 : vector<16xf32> to vector<16xf32>
        %parallel_loop3A_755 = arith.constant 128 : i32
        %parallel_loop3A_756 = arith.muli %parallel_loop3A_705, %parallel_loop3A_755 : i32
        %parallel_loop3A_757 = arith.constant 112 : i32
        %parallel_loop3A_758 = arith.addi %parallel_loop3A_756, %parallel_loop3A_757 : i32
        %parallel_loop3A_759 = arith.index_cast %parallel_loop3A_758 : i32 to index
        %parallel_loop3A_760 = tpu.vector_load %arg6[%parallel_loop3A_759] {strides = array<i32>} : memref<8576xf32, #tpu.memory_space<vmem>>, vector<16xf32>,
        %parallel_loop3A_761 = vector.shape_cast %parallel_loop3A_760 : vector<16xf32> to vector<16xf32>
        scf.yield %parallel_loop3A_712, %parallel_loop3A_719, %parallel_loop3A_726, %parallel_loop3A_733, %parallel_loop3A_740, %parallel_loop3A_747, %parallel_loop3A_754, %parallel_loop3A_761, %parallel_loop3A_382, %parallel_loop3A_383, %parallel_loop3A_384, %parallel_loop3A_385, %parallel_loop3A_386, %parallel_loop3A_387, %parallel_loop3A_388, %parallel_loop3A_389, %parallel_loop3A_390, %parallel_loop3A_391, %parallel_loop3A_392, %parallel_loop3A_393, %parallel_loop3A_394, %parallel_loop3A_395, %parallel_loop3A_396, %parallel_loop3A_397, %parallel_loop3A_398, %parallel_loop3A_399, %parallel_loop3A_400, %parallel_loop3A_401, %parallel_loop3A_402, %parallel_loop3A_403, %parallel_loop3A_404, %parallel_loop3A_405 : vector<16xf32>, vector<16xf32>, vector<16xf32>, vector<16xf32>, vector<16xf32>, vector<16xf32>, vector<16xf32>, vector<16xf32>, vector<16xf32>, vector<16xf32>, vector<16xf32>, vector<16xf32>, vector<16xf32>, vector<16xf32>, vector<16xf32>, vector<16xf32>, vector<16xf32>, vector<16xf32>, vector<16xf32>, vector<16xf32>, vector<16xf32>, vector<16xf32>, vector<16xf32>, vector<16xf32>, vector<16xf32>, vector<16xf32>, vector<16xf32>, vector<16xf32>, vector<16xf32>, vector<16xf32>, vector<16xf32>, vector<16xf32>
      } {sc.loop_unroll_factor = 1 : i64, sc.parallel_access}
      %dma_start3A_201 = arith.constant 0 : i32
      %dma_start3A_202 = tpu.memref_slice %arg4[%add3A_67, %mul3A_69, %dma_start3A_201] : memref<1024x1024x128xf32, #tpu.memory_space<hbm>> -> memref<4x64x128xf32, #tpu.memory_space<hbm>>
      %dma_start3A_203 = arith.constant 0 : i32
      %dma_start3A_204 = tpu.memref_slice %arg4[%add3A_67, %mul3A_69, %dma_start3A_203] : memref<1024x1024x128xf32, #tpu.memory_space<hbm>> -> memref<4x64x128xf32, #tpu.memory_space<hbm>>
      tpu.enqueue_dma source(%arg8 : memref<4x64x128xf32, #tpu.memory_space<vmem>>) target(%dma_start3A_204 : memref<4x64x128xf32, #tpu.memory_space<hbm>>) target_semaphore(%arg12 : memref<!tpu.dma_semaphore, #tpu.memory_space<semaphore_mem>>)
      %mul3A_205 = arith.constant 2 : i32
      %mul3A_206 = arith.muli %mul3A_205, %scan3A_39 : i32
      %add3A_207 = arith.constant 1 : i32
      %add3A_208 = arith.addi %mul3A_206, %add3A_207 : i32
      %jit3A_209 = arith.constant 8 : i32
      %div3A_210 = arith.divsi %add3A_208, %jit3A_209 : i32
      %sign3A_211 = arith.constant 0 : i32
      %sign3A_212 = arith.cmpi sgt, %add3A_208, %sign3A_211 : i32
      %sign3A_213 = arith.extui %sign3A_212 : i1 to i32
      %sign3A_214 = arith.constant 0 : i32
      %sign3A_215 = arith.cmpi slt, %add3A_208, %sign3A_214 : i32
      %sign3A_216 = arith.extui %sign3A_215 : i1 to i32
      %sign3A_217 = arith.subi %sign3A_213, %sign3A_216 : i32
      %sign3A_218 = arith.constant 0 : i32
      %sign3A_219 = arith.cmpi sgt, %jit3A_209, %sign3A_218 : i32
      %sign3A_220 = arith.extui %sign3A_219 : i1 to i32
      %sign3A_221 = arith.constant 0 : i32
      %sign3A_222 = arith.cmpi slt, %jit3A_209, %sign3A_221 : i32
      %sign3A_223 = arith.extui %sign3A_222 : i1 to i32
      %sign3A_224 = arith.subi %sign3A_220, %sign3A_223 : i32
      %ne3A_225 = arith.cmpi ne, %sign3A_217, %sign3A_224 : i32
      %rem3A_226 = arith.remsi %add3A_208, %jit3A_209 : i32
      %ne3A_227 = arith.constant 0 : i32
      %ne3A_228 = arith.cmpi ne, %rem3A_226, %ne3A_227 : i32
      %and3A_229 = arith.andi %ne3A_225, %ne3A_228 : i1
      %sub3A_230 = arith.constant 1 : i32
      %sub3A_231 = arith.subi %div3A_210, %sub3A_230 : i32
      %select_n3A_232 = arith.select %and3A_229, %sub3A_231, %div3A_210 : i32
      %mul3A_233 = arith.constant 8 : i32
      %mul3A_234 = arith.muli %select_n3A_232, %mul3A_233 : i32
      %sub3A_235 = arith.subi %add3A_208, %mul3A_234 : i32
      %mul3A_236 = arith.constant 4 : i32
      %mul3A_237 = arith.muli %mul3A_236, %sub3A_235 : i32
      %add3A_238 = arith.addi %mul3A_2, %mul3A_237 : i32
      %mul3A_239 = arith.constant 64 : i32
      %mul3A_240 = arith.muli %select_n3A_232, %mul3A_239 : i32
      %jit3A_241 = arith.constant 8 : i32
      %eq3A_242 = arith.constant 0 : i32
      %eq3A_243 = arith.cmpi eq, %jit3A_241, %eq3A_242 : i32
      %jit3A_244 = arith.constant 1 : i32
      %select_n3A_245 = arith.select %eq3A_243, %jit3A_244, %jit3A_241 : i32
      %rem3A_246 = arith.remsi %add3A_208, %select_n3A_245 : i32
      %ne3A_247 = arith.constant 0 : i32
      %ne3A_248 = arith.cmpi ne, %rem3A_246, %ne3A_247 : i32
      %lt3A_249 = arith.constant 0 : i32
      %lt3A_250 = arith.cmpi slt, %rem3A_246, %lt3A_249 : i32
      %lt3A_251 = arith.constant 0 : i32
      %lt3A_252 = arith.cmpi slt, %select_n3A_245, %lt3A_251 : i32
      %ne3A_253 = arith.xori %lt3A_250, %lt3A_252 : i1
      %and3A_254 = arith.andi %ne3A_253, %ne3A_248 : i1
      %add3A_255 = arith.addi %rem3A_246, %select_n3A_245 : i32
      %select_n3A_256 = arith.select %and3A_254, %add3A_255, %rem3A_246 : i32
      %eq3A_257 = arith.constant 0 : i32
      %eq3A_258 = arith.cmpi eq, %select_n3A_256, %eq3A_257 : i32
      %convert_element_type3A_259 = arith.extui %eq3A_258 : i1 to i32
      %cond3A_260 = arith.constant 0 : i32
      %cond3A_261 = arith.cmpi ne, %convert_element_type3A_259, %cond3A_260 : i32
      scf.if %cond3A_261 {
        "tpu.region"() ({
          %run_scoped3A = tpu.sem_alloc : memref<!tpu.dma_semaphore, #tpu.memory_space<semaphore_mem>>
          %dma_start3A_381 = arith.constant 0 : i32
          %dma_start3A_382 = tpu.memref_slice %arg15[%mul3A_240, %dma_start3A_381] : memref<1024x128xf32, #tpu.memory_space<vmem_shared>> -> memref<64x128xf32, #tpu.memory_space<vmem_shared>>
          %dma_start3A_383 = arith.constant 0 : i32
          %dma_start3A_384 = tpu.memref_slice %arg15[%mul3A_240, %dma_start3A_383] : memref<1024x128xf32, #tpu.memory_space<vmem_shared>> -> memref<64x128xf32, #tpu.memory_space<vmem_shared>>
          tpu.enqueue_dma source(%dma_start3A_384 : memref<64x128xf32, #tpu.memory_space<vmem_shared>>) target(%arg5 : memref<64x128xf32, #tpu.memory_space<vmem>>) target_semaphore(%run_scoped3A : memref<!tpu.dma_semaphore, #tpu.memory_space<semaphore_mem>>)
          %dma_wait3A_385 = arith.constant 0 : i32
          %dma_wait3A_386 = tpu.memref_slice %arg15[%mul3A_240, %dma_wait3A_385] : memref<1024x128xf32, #tpu.memory_space<vmem_shared>> -> memref<64x128xf32, #tpu.memory_space<vmem_shared>>
          %dma_wait3A_387 = arith.constant 0 : i32
          %dma_wait3A_388 = tpu.memref_slice %arg15[%mul3A_240, %dma_wait3A_387] : memref<1024x128xf32, #tpu.memory_space<vmem_shared>> -> memref<64x128xf32, #tpu.memory_space<vmem_shared>>
          tpu.wait_dma2 semaphore(%run_scoped3A : memref<!tpu.dma_semaphore, #tpu.memory_space<semaphore_mem>>) src(%dma_wait3A_388 : memref<64x128xf32, #tpu.memory_space<vmem_shared>>) dst(%arg5 : memref<64x128xf32, #tpu.memory_space<vmem>>)
          tpu.yield
        }) : () -> ()
      } else {
      }
      %lt3A_262 = arith.constant 127 : i32
      %lt3A_263 = arith.cmpi slt, %add3A_208, %lt3A_262 : i32
      %convert_element_type3A_264 = arith.extui %lt3A_263 : i1 to i32
      %cond3A_265 = arith.constant 0 : i32
      %cond3A_266 = arith.cmpi ne, %convert_element_type3A_264, %cond3A_265 : i32
      scf.if %cond3A_266 {
        %add3A_381 = arith.constant 1 : i32
        %add3A_382 = arith.addi %add3A_208, %add3A_381 : i32
        %jit3A_383 = arith.constant 8 : i32
        %div3A_384 = arith.divsi %add3A_382, %jit3A_383 : i32
        %sign3A_385 = arith.constant 0 : i32
        %sign3A_386 = arith.cmpi sgt, %add3A_382, %sign3A_385 : i32
        %sign3A_387 = arith.extui %sign3A_386 : i1 to i32
        %sign3A_388 = arith.constant 0 : i32
        %sign3A_389 = arith.cmpi slt, %add3A_382, %sign3A_388 : i32
        %sign3A_390 = arith.extui %sign3A_389 : i1 to i32
        %sign3A_391 = arith.subi %sign3A_387, %sign3A_390 : i32
        %sign3A_392 = arith.constant 0 : i32
        %sign3A_393 = arith.cmpi sgt, %jit3A_383, %sign3A_392 : i32
        %sign3A_394 = arith.extui %sign3A_393 : i1 to i32
        %sign3A_395 = arith.constant 0 : i32
        %sign3A_396 = arith.cmpi slt, %jit3A_383, %sign3A_395 : i32
        %sign3A_397 = arith.extui %sign3A_396 : i1 to i32
        %sign3A_398 = arith.subi %sign3A_394, %sign3A_397 : i32
        %ne3A_399 = arith.cmpi ne, %sign3A_391, %sign3A_398 : i32
        %rem3A_400 = arith.remsi %add3A_382, %jit3A_383 : i32
        %ne3A_401 = arith.constant 0 : i32
        %ne3A_402 = arith.cmpi ne, %rem3A_400, %ne3A_401 : i32
        %and3A_403 = arith.andi %ne3A_399, %ne3A_402 : i1
        %sub3A_404 = arith.constant 1 : i32
        %sub3A_405 = arith.subi %div3A_384, %sub3A_404 : i32
        %select_n3A_406 = arith.select %and3A_403, %sub3A_405, %div3A_384 : i32
        %mul3A_407 = arith.constant 8 : i32
        %mul3A_408 = arith.muli %select_n3A_406, %mul3A_407 : i32
        %sub3A_409 = arith.subi %add3A_382, %mul3A_408 : i32
        %mul3A_410 = arith.constant 4 : i32
        %mul3A_411 = arith.muli %mul3A_410, %sub3A_409 : i32
        %add3A_412 = arith.addi %mul3A_2, %mul3A_411 : i32
        %mul3A_413 = arith.constant 64 : i32
        %mul3A_414 = arith.muli %select_n3A_406, %mul3A_413 : i32
        %add3A_415 = arith.constant 961 : i32
        %add3A_416 = arith.addi %add3A_412, %add3A_415 : i32
        %sub3A_417 = arith.subi %add3A_416, %mul3A_414 : i32
        %mul3A_418 = arith.constant 128 : i32
        %mul3A_419 = arith.muli %sub3A_417, %mul3A_418 : i32
        %dma_start3A_420 = tpu.memref_slice %arg14[%mul3A_419] : memref<262272xf32, #tpu.memory_space<vmem_shared>> -> memref<8576xf32, #tpu.memory_space<vmem_shared>>
        %dma_start3A_421 = tpu.memref_slice %arg14[%mul3A_419] : memref<262272xf32, #tpu.memory_space<vmem_shared>> -> memref<8576xf32, #tpu.memory_space<vmem_shared>>
        tpu.enqueue_dma source(%dma_start3A_421 : memref<8576xf32, #tpu.memory_space<vmem_shared>>) target(%arg6 : memref<8576xf32, #tpu.memory_space<vmem>>) target_semaphore(%arg10 : memref<!tpu.dma_semaphore, #tpu.memory_space<semaphore_mem>>)
      } else {
      }
      %dma_wait3A_267 = arith.constant 0 : i32
      %dma_wait3A_268 = tpu.memref_slice %arg14[%dma_wait3A_267] : memref<262272xf32, #tpu.memory_space<vmem_shared>> -> memref<8576xf32, #tpu.memory_space<vmem_shared>>
      %dma_wait3A_269 = arith.constant 0 : i32
      %dma_wait3A_270 = tpu.memref_slice %arg14[%dma_wait3A_269] : memref<262272xf32, #tpu.memory_space<vmem_shared>> -> memref<8576xf32, #tpu.memory_space<vmem_shared>>
      tpu.wait_dma2 semaphore(%arg11 : memref<!tpu.dma_semaphore, #tpu.memory_space<semaphore_mem>>) src(%dma_wait3A_270 : memref<8576xf32, #tpu.memory_space<vmem_shared>>) dst(%arg7 : memref<8576xf32, #tpu.memory_space<vmem>>)
      %ge3A_271 = arith.constant 2 : i32
      %ge3A_272 = arith.cmpi sge, %add3A_208, %ge3A_271 : i32
      %convert_element_type3A_273 = arith.extui %ge3A_272 : i1 to i32
      %cond3A_274 = arith.constant 0 : i32
      %cond3A_275 = arith.cmpi ne, %convert_element_type3A_273, %cond3A_274 : i32
      scf.if %cond3A_275 {
        %dma_wait3A_381 = arith.constant 0 : i32
        %dma_wait3A_382 = arith.constant 0 : i32
        %dma_wait3A_383 = arith.constant 0 : i32
        %dma_wait3A_384 = tpu.memref_slice %arg4[%dma_wait3A_381, %dma_wait3A_382, %dma_wait3A_383] : memref<1024x1024x128xf32, #tpu.memory_space<hbm>> -> memref<4x64x128xf32, #tpu.memory_space<hbm>>
        %dma_wait3A_385 = arith.constant 0 : i32
        %dma_wait3A_386 = arith.constant 0 : i32
        %dma_wait3A_387 = arith.constant 0 : i32
        %dma_wait3A_388 = tpu.memref_slice %arg4[%dma_wait3A_385, %dma_wait3A_386, %dma_wait3A_387] : memref<1024x1024x128xf32, #tpu.memory_space<hbm>> -> memref<4x64x128xf32, #tpu.memory_space<hbm>>
        tpu.wait_dma2 semaphore(%arg13 : memref<!tpu.dma_semaphore, #tpu.memory_space<semaphore_mem>>) src(%dma_wait3A_388 : memref<4x64x128xf32, #tpu.memory_space<hbm>>) dst(%arg9 : memref<4x64x128xf32, #tpu.memory_space<vmem>>)
      } else {
      }
      %get3A_276 = arith.constant 8064 : index
      %get3A_277 = tpu.vector_load %arg7[%get3A_276] {strides = array<i32>} : memref<8576xf32, #tpu.memory_space<vmem>>, vector<16xf32>,
      %get3A_278 = vector.shape_cast %get3A_277 : vector<16xf32> to vector<16xf32>
      %get3A_279 = arith.constant 8080 : index
      %get3A_280 = tpu.vector_load %arg7[%get3A_279] {strides = array<i32>} : memref<8576xf32, #tpu.memory_space<vmem>>, vector<16xf32>,
      %get3A_281 = vector.shape_cast %get3A_280 : vector<16xf32> to vector<16xf32>
      %get3A_282 = arith.constant 8096 : index
      %get3A_283 = tpu.vector_load %arg7[%get3A_282] {strides = array<i32>} : memref<8576xf32, #tpu.memory_space<vmem>>, vector<16xf32>,
      %get3A_284 = vector.shape_cast %get3A_283 : vector<16xf32> to vector<16xf32>
      %get3A_285 = arith.constant 8112 : index
      %get3A_286 = tpu.vector_load %arg7[%get3A_285] {strides = array<i32>} : memref<8576xf32, #tpu.memory_space<vmem>>, vector<16xf32>,
      %get3A_287 = vector.shape_cast %get3A_286 : vector<16xf32> to vector<16xf32>
      %get3A_288 = arith.constant 8128 : index
      %get3A_289 = tpu.vector_load %arg7[%get3A_288] {strides = array<i32>} : memref<8576xf32, #tpu.memory_space<vmem>>, vector<16xf32>,
      %get3A_290 = vector.shape_cast %get3A_289 : vector<16xf32> to vector<16xf32>
      %get3A_291 = arith.constant 8144 : index
      %get3A_292 = tpu.vector_load %arg7[%get3A_291] {strides = array<i32>} : memref<8576xf32, #tpu.memory_space<vmem>>, vector<16xf32>,
      %get3A_293 = vector.shape_cast %get3A_292 : vector<16xf32> to vector<16xf32>
      %get3A_294 = arith.constant 8160 : index
      %get3A_295 = tpu.vector_load %arg7[%get3A_294] {strides = array<i32>} : memref<8576xf32, #tpu.memory_space<vmem>>, vector<16xf32>,
      %get3A_296 = vector.shape_cast %get3A_295 : vector<16xf32> to vector<16xf32>
      %get3A_297 = arith.constant 8176 : index
      %get3A_298 = tpu.vector_load %arg7[%get3A_297] {strides = array<i32>} : memref<8576xf32, #tpu.memory_space<vmem>>, vector<16xf32>,
      %get3A_299 = vector.shape_cast %get3A_298 : vector<16xf32> to vector<16xf32>
      %get3A_300 = arith.constant 8192 : index
      %get3A_301 = tpu.vector_load %arg7[%get3A_300] {strides = array<i32>} : memref<8576xf32, #tpu.memory_space<vmem>>, vector<16xf32>,
      %get3A_302 = vector.shape_cast %get3A_301 : vector<16xf32> to vector<16xf32>
      %get3A_303 = arith.constant 8208 : index
      %get3A_304 = tpu.vector_load %arg7[%get3A_303] {strides = array<i32>} : memref<8576xf32, #tpu.memory_space<vmem>>, vector<16xf32>,
      %get3A_305 = vector.shape_cast %get3A_304 : vector<16xf32> to vector<16xf32>
      %get3A_306 = arith.constant 8224 : index
      %get3A_307 = tpu.vector_load %arg7[%get3A_306] {strides = array<i32>} : memref<8576xf32, #tpu.memory_space<vmem>>, vector<16xf32>,
      %get3A_308 = vector.shape_cast %get3A_307 : vector<16xf32> to vector<16xf32>
      %get3A_309 = arith.constant 8240 : index
      %get3A_310 = tpu.vector_load %arg7[%get3A_309] {strides = array<i32>} : memref<8576xf32, #tpu.memory_space<vmem>>, vector<16xf32>,
      %get3A_311 = vector.shape_cast %get3A_310 : vector<16xf32> to vector<16xf32>
      %get3A_312 = arith.constant 8256 : index
      %get3A_313 = tpu.vector_load %arg7[%get3A_312] {strides = array<i32>} : memref<8576xf32, #tpu.memory_space<vmem>>, vector<16xf32>,
      %get3A_314 = vector.shape_cast %get3A_313 : vector<16xf32> to vector<16xf32>
      %get3A_315 = arith.constant 8272 : index
      %get3A_316 = tpu.vector_load %arg7[%get3A_315] {strides = array<i32>} : memref<8576xf32, #tpu.memory_space<vmem>>, vector<16xf32>,
      %get3A_317 = vector.shape_cast %get3A_316 : vector<16xf32> to vector<16xf32>
      %get3A_318 = arith.constant 8288 : index
      %get3A_319 = tpu.vector_load %arg7[%get3A_318] {strides = array<i32>} : memref<8576xf32, #tpu.memory_space<vmem>>, vector<16xf32>,
      %get3A_320 = vector.shape_cast %get3A_319 : vector<16xf32> to vector<16xf32>
      %get3A_321 = arith.constant 8304 : index
      %get3A_322 = tpu.vector_load %arg7[%get3A_321] {strides = array<i32>} : memref<8576xf32, #tpu.memory_space<vmem>>, vector<16xf32>,
      %get3A_323 = vector.shape_cast %get3A_322 : vector<16xf32> to vector<16xf32>
      %get3A_324 = arith.constant 8320 : index
      %get3A_325 = tpu.vector_load %arg7[%get3A_324] {strides = array<i32>} : memref<8576xf32, #tpu.memory_space<vmem>>, vector<16xf32>,
      %get3A_326 = vector.shape_cast %get3A_325 : vector<16xf32> to vector<16xf32>
      %get3A_327 = arith.constant 8336 : index
      %get3A_328 = tpu.vector_load %arg7[%get3A_327] {strides = array<i32>} : memref<8576xf32, #tpu.memory_space<vmem>>, vector<16xf32>,
      %get3A_329 = vector.shape_cast %get3A_328 : vector<16xf32> to vector<16xf32>
      %get3A_330 = arith.constant 8352 : index
      %get3A_331 = tpu.vector_load %arg7[%get3A_330] {strides = array<i32>} : memref<8576xf32, #tpu.memory_space<vmem>>, vector<16xf32>,
      %get3A_332 = vector.shape_cast %get3A_331 : vector<16xf32> to vector<16xf32>
      %get3A_333 = arith.constant 8368 : index
      %get3A_334 = tpu.vector_load %arg7[%get3A_333] {strides = array<i32>} : memref<8576xf32, #tpu.memory_space<vmem>>, vector<16xf32>,
      %get3A_335 = vector.shape_cast %get3A_334 : vector<16xf32> to vector<16xf32>
      %get3A_336 = arith.constant 8384 : index
      %get3A_337 = tpu.vector_load %arg7[%get3A_336] {strides = array<i32>} : memref<8576xf32, #tpu.memory_space<vmem>>, vector<16xf32>,
      %get3A_338 = vector.shape_cast %get3A_337 : vector<16xf32> to vector<16xf32>
      %get3A_339 = arith.constant 8400 : index
      %get3A_340 = tpu.vector_load %arg7[%get3A_339] {strides = array<i32>} : memref<8576xf32, #tpu.memory_space<vmem>>, vector<16xf32>,
      %get3A_341 = vector.shape_cast %get3A_340 : vector<16xf32> to vector<16xf32>
      %get3A_342 = arith.constant 8416 : index
      %get3A_343 = tpu.vector_load %arg7[%get3A_342] {strides = array<i32>} : memref<8576xf32, #tpu.memory_space<vmem>>, vector<16xf32>,
      %get3A_344 = vector.shape_cast %get3A_343 : vector<16xf32> to vector<16xf32>
      %get3A_345 = arith.constant 8432 : index
      %get3A_346 = tpu.vector_load %arg7[%get3A_345] {strides = array<i32>} : memref<8576xf32, #tpu.memory_space<vmem>>, vector<16xf32>,
      %get3A_347 = vector.shape_cast %get3A_346 : vector<16xf32> to vector<16xf32>
      %get3A_348 = arith.constant 8448 : index
      %get3A_349 = tpu.vector_load %arg7[%get3A_348] {strides = array<i32>} : memref<8576xf32, #tpu.memory_space<vmem>>, vector<16xf32>,
      %get3A_350 = vector.shape_cast %get3A_349 : vector<16xf32> to vector<16xf32>
      %get3A_351 = arith.constant 8464 : index
      %get3A_352 = tpu.vector_load %arg7[%get3A_351] {strides = array<i32>} : memref<8576xf32, #tpu.memory_space<vmem>>, vector<16xf32>,
      %get3A_353 = vector.shape_cast %get3A_352 : vector<16xf32> to vector<16xf32>
      %get3A_354 = arith.constant 8480 : index
      %get3A_355 = tpu.vector_load %arg7[%get3A_354] {strides = array<i32>} : memref<8576xf32, #tpu.memory_space<vmem>>, vector<16xf32>,
      %get3A_356 = vector.shape_cast %get3A_355 : vector<16xf32> to vector<16xf32>
      %get3A_357 = arith.constant 8496 : index
      %get3A_358 = tpu.vector_load %arg7[%get3A_357] {strides = array<i32>} : memref<8576xf32, #tpu.memory_space<vmem>>, vector<16xf32>,
      %get3A_359 = vector.shape_cast %get3A_358 : vector<16xf32> to vector<16xf32>
      %get3A_360 = arith.constant 8512 : index
      %get3A_361 = tpu.vector_load %arg7[%get3A_360] {strides = array<i32>} : memref<8576xf32, #tpu.memory_space<vmem>>, vector<16xf32>,
      %get3A_362 = vector.shape_cast %get3A_361 : vector<16xf32> to vector<16xf32>
      %get3A_363 = arith.constant 8528 : index
      %get3A_364 = tpu.vector_load %arg7[%get3A_363] {strides = array<i32>} : memref<8576xf32, #tpu.memory_space<vmem>>, vector<16xf32>,
      %get3A_365 = vector.shape_cast %get3A_364 : vector<16xf32> to vector<16xf32>
      %get3A_366 = arith.constant 8544 : index
      %get3A_367 = tpu.vector_load %arg7[%get3A_366] {strides = array<i32>} : memref<8576xf32, #tpu.memory_space<vmem>>, vector<16xf32>,
      %get3A_368 = vector.shape_cast %get3A_367 : vector<16xf32> to vector<16xf32>
      %get3A_369 = arith.constant 8560 : index
      %get3A_370 = tpu.vector_load %arg7[%get3A_369] {strides = array<i32>} : memref<8576xf32, #tpu.memory_space<vmem>>, vector<16xf32>,
      %get3A_371 = vector.shape_cast %get3A_370 : vector<16xf32> to vector<16xf32>
      %parallel_loop3A_372 = arith.constant 0 : i32
      %parallel_loop3A_373 = arith.constant 64 : i32
      %parallel_loop3A_374 = arith.constant 1 : i32
      %parallel_loop3A_375:32 = scf.for %parallel_loop3A_381 = %parallel_loop3A_372 to %parallel_loop3A_373 step %parallel_loop3A_374 iter_args(%parallel_loop3A_382 = %get3A_278, %parallel_loop3A_383 = %get3A_281, %parallel_loop3A_384 = %get3A_284, %parallel_loop3A_385 = %get3A_287, %parallel_loop3A_386 = %get3A_290, %parallel_loop3A_387 = %get3A_293, %parallel_loop3A_388 = %get3A_296, %parallel_loop3A_389 = %get3A_299, %parallel_loop3A_390 = %get3A_302, %parallel_loop3A_391 = %get3A_305, %parallel_loop3A_392 = %get3A_308, %parallel_loop3A_393 = %get3A_311, %parallel_loop3A_394 = %get3A_314, %parallel_loop3A_395 = %get3A_317, %parallel_loop3A_396 = %get3A_320, %parallel_loop3A_397 = %get3A_323, %parallel_loop3A_398 = %get3A_326, %parallel_loop3A_399 = %get3A_329, %parallel_loop3A_400 = %get3A_332, %parallel_loop3A_401 = %get3A_335, %parallel_loop3A_402 = %get3A_338, %parallel_loop3A_403 = %get3A_341, %parallel_loop3A_404 = %get3A_344, %parallel_loop3A_405 = %get3A_347, %parallel_loop3A_406 = %get3A_350, %parallel_loop3A_407 = %get3A_353, %parallel_loop3A_408 = %get3A_356, %parallel_loop3A_409 = %get3A_359, %parallel_loop3A_410 = %get3A_362, %parallel_loop3A_411 = %get3A_365, %parallel_loop3A_412 = %get3A_368, %parallel_loop3A_413 = %get3A_371) -> (vector<16xf32>, vector<16xf32>, vector<16xf32>, vector<16xf32>, vector<16xf32>, vector<16xf32>, vector<16xf32>, vector<16xf32>, vector<16xf32>, vector<16xf32>, vector<16xf32>, vector<16xf32>, vector<16xf32>, vector<16xf32>, vector<16xf32>, vector<16xf32>, vector<16xf32>, vector<16xf32>, vector<16xf32>, vector<16xf32>, vector<16xf32>, vector<16xf32>, vector<16xf32>, vector<16xf32>, vector<16xf32>, vector<16xf32>, vector<16xf32>, vector<16xf32>, vector<16xf32>, vector<16xf32>, vector<16xf32>, vector<16xf32>)  : i32 {
        %parallel_loop3A_414 = arith.index_cast %parallel_loop3A_381 : i32 to index
        %parallel_loop3A_415 = arith.constant 0 : index
        %parallel_loop3A_416 = tpu.vector_load %arg5[%parallel_loop3A_414, %parallel_loop3A_415] {strides = array<i32>} : memref<64x128xf32, #tpu.memory_space<vmem>>, vector<1x16xf32>,
        %parallel_loop3A_417 = vector.shape_cast %parallel_loop3A_416 : vector<1x16xf32> to vector<16xf32>
        %parallel_loop3A_418 = arith.addf %parallel_loop3A_417, %parallel_loop3A_382 : vector<16xf32>
        %parallel_loop3A_419 = arith.constant 0 : i32
        %parallel_loop3A_420 = arith.index_cast %parallel_loop3A_419 : i32 to index
        %parallel_loop3A_421 = arith.index_cast %parallel_loop3A_381 : i32 to index
        %parallel_loop3A_422 = arith.constant 0 : index
        %parallel_loop3A_423 = tpu.vector_load %arg9[%parallel_loop3A_420, %parallel_loop3A_421, %parallel_loop3A_422] {strides = array<i32>} : memref<4x64x128xf32, #tpu.memory_space<vmem>>, vector<1x1x16xf32>,
        %parallel_loop3A_424 = vector.shape_cast %parallel_loop3A_423 : vector<1x1x16xf32> to vector<16xf32>
        %parallel_loop3A_425 = vector.shape_cast %parallel_loop3A_418 : vector<16xf32> to vector<1x1x16xf32>
        tpu.vector_store %arg9[%parallel_loop3A_420, %parallel_loop3A_421, %parallel_loop3A_422], %parallel_loop3A_425 {strides = array<i32>} : memref<4x64x128xf32, #tpu.memory_space<vmem>>, vector<1x1x16xf32>,
        %parallel_loop3A_426 = arith.addf %parallel_loop3A_417, %parallel_loop3A_390 : vector<16xf32>
        %parallel_loop3A_427 = arith.constant 1 : i32
        %parallel_loop3A_428 = arith.index_cast %parallel_loop3A_427 : i32 to index
        %parallel_loop3A_429 = arith.index_cast %parallel_loop3A_381 : i32 to index
        %parallel_loop3A_430 = arith.constant 0 : index
        %parallel_loop3A_431 = tpu.vector_load %arg9[%parallel_loop3A_428, %parallel_loop3A_429, %parallel_loop3A_430] {strides = array<i32>} : memref<4x64x128xf32, #tpu.memory_space<vmem>>, vector<1x1x16xf32>,
        %parallel_loop3A_432 = vector.shape_cast %parallel_loop3A_431 : vector<1x1x16xf32> to vector<16xf32>
        %parallel_loop3A_433 = vector.shape_cast %parallel_loop3A_426 : vector<16xf32> to vector<1x1x16xf32>
        tpu.vector_store %arg9[%parallel_loop3A_428, %parallel_loop3A_429, %parallel_loop3A_430], %parallel_loop3A_433 {strides = array<i32>} : memref<4x64x128xf32, #tpu.memory_space<vmem>>, vector<1x1x16xf32>,
        %parallel_loop3A_434 = arith.addf %parallel_loop3A_417, %parallel_loop3A_398 : vector<16xf32>
        %parallel_loop3A_435 = arith.constant 2 : i32
        %parallel_loop3A_436 = arith.index_cast %parallel_loop3A_435 : i32 to index
        %parallel_loop3A_437 = arith.index_cast %parallel_loop3A_381 : i32 to index
        %parallel_loop3A_438 = arith.constant 0 : index
        %parallel_loop3A_439 = tpu.vector_load %arg9[%parallel_loop3A_436, %parallel_loop3A_437, %parallel_loop3A_438] {strides = array<i32>} : memref<4x64x128xf32, #tpu.memory_space<vmem>>, vector<1x1x16xf32>,
        %parallel_loop3A_440 = vector.shape_cast %parallel_loop3A_439 : vector<1x1x16xf32> to vector<16xf32>
        %parallel_loop3A_441 = vector.shape_cast %parallel_loop3A_434 : vector<16xf32> to vector<1x1x16xf32>
        tpu.vector_store %arg9[%parallel_loop3A_436, %parallel_loop3A_437, %parallel_loop3A_438], %parallel_loop3A_441 {strides = array<i32>} : memref<4x64x128xf32, #tpu.memory_space<vmem>>, vector<1x1x16xf32>,
        %parallel_loop3A_442 = arith.addf %parallel_loop3A_417, %parallel_loop3A_406 : vector<16xf32>
        %parallel_loop3A_443 = arith.constant 3 : i32
        %parallel_loop3A_444 = arith.index_cast %parallel_loop3A_443 : i32 to index
        %parallel_loop3A_445 = arith.index_cast %parallel_loop3A_381 : i32 to index
        %parallel_loop3A_446 = arith.constant 0 : index
        %parallel_loop3A_447 = tpu.vector_load %arg9[%parallel_loop3A_444, %parallel_loop3A_445, %parallel_loop3A_446] {strides = array<i32>} : memref<4x64x128xf32, #tpu.memory_space<vmem>>, vector<1x1x16xf32>,
        %parallel_loop3A_448 = vector.shape_cast %parallel_loop3A_447 : vector<1x1x16xf32> to vector<16xf32>
        %parallel_loop3A_449 = vector.shape_cast %parallel_loop3A_442 : vector<16xf32> to vector<1x1x16xf32>
        tpu.vector_store %arg9[%parallel_loop3A_444, %parallel_loop3A_445, %parallel_loop3A_446], %parallel_loop3A_449 {strides = array<i32>} : memref<4x64x128xf32, #tpu.memory_space<vmem>>, vector<1x1x16xf32>,
        %parallel_loop3A_450 = arith.index_cast %parallel_loop3A_381 : i32 to index
        %parallel_loop3A_451 = arith.constant 16 : index
        %parallel_loop3A_452 = tpu.vector_load %arg5[%parallel_loop3A_450, %parallel_loop3A_451] {strides = array<i32>} : memref<64x128xf32, #tpu.memory_space<vmem>>, vector<1x16xf32>,
        %parallel_loop3A_453 = vector.shape_cast %parallel_loop3A_452 : vector<1x16xf32> to vector<16xf32>
        %parallel_loop3A_454 = arith.addf %parallel_loop3A_453, %parallel_loop3A_383 : vector<16xf32>
        %parallel_loop3A_455 = arith.constant 0 : i32
        %parallel_loop3A_456 = arith.index_cast %parallel_loop3A_455 : i32 to index
        %parallel_loop3A_457 = arith.index_cast %parallel_loop3A_381 : i32 to index
        %parallel_loop3A_458 = arith.constant 16 : index
        %parallel_loop3A_459 = tpu.vector_load %arg9[%parallel_loop3A_456, %parallel_loop3A_457, %parallel_loop3A_458] {strides = array<i32>} : memref<4x64x128xf32, #tpu.memory_space<vmem>>, vector<1x1x16xf32>,
        %parallel_loop3A_460 = vector.shape_cast %parallel_loop3A_459 : vector<1x1x16xf32> to vector<16xf32>
        %parallel_loop3A_461 = vector.shape_cast %parallel_loop3A_454 : vector<16xf32> to vector<1x1x16xf32>
        tpu.vector_store %arg9[%parallel_loop3A_456, %parallel_loop3A_457, %parallel_loop3A_458], %parallel_loop3A_461 {strides = array<i32>} : memref<4x64x128xf32, #tpu.memory_space<vmem>>, vector<1x1x16xf32>,
        %parallel_loop3A_462 = arith.addf %parallel_loop3A_453, %parallel_loop3A_391 : vector<16xf32>
        %parallel_loop3A_463 = arith.constant 1 : i32
        %parallel_loop3A_464 = arith.index_cast %parallel_loop3A_463 : i32 to index
        %parallel_loop3A_465 = arith.index_cast %parallel_loop3A_381 : i32 to index
        %parallel_loop3A_466 = arith.constant 16 : index
        %parallel_loop3A_467 = tpu.vector_load %arg9[%parallel_loop3A_464, %parallel_loop3A_465, %parallel_loop3A_466] {strides = array<i32>} : memref<4x64x128xf32, #tpu.memory_space<vmem>>, vector<1x1x16xf32>,
        %parallel_loop3A_468 = vector.shape_cast %parallel_loop3A_467 : vector<1x1x16xf32> to vector<16xf32>
        %parallel_loop3A_469 = vector.shape_cast %parallel_loop3A_462 : vector<16xf32> to vector<1x1x16xf32>
        tpu.vector_store %arg9[%parallel_loop3A_464, %parallel_loop3A_465, %parallel_loop3A_466], %parallel_loop3A_469 {strides = array<i32>} : memref<4x64x128xf32, #tpu.memory_space<vmem>>, vector<1x1x16xf32>,
        %parallel_loop3A_470 = arith.addf %parallel_loop3A_453, %parallel_loop3A_399 : vector<16xf32>
        %parallel_loop3A_471 = arith.constant 2 : i32
        %parallel_loop3A_472 = arith.index_cast %parallel_loop3A_471 : i32 to index
        %parallel_loop3A_473 = arith.index_cast %parallel_loop3A_381 : i32 to index
        %parallel_loop3A_474 = arith.constant 16 : index
        %parallel_loop3A_475 = tpu.vector_load %arg9[%parallel_loop3A_472, %parallel_loop3A_473, %parallel_loop3A_474] {strides = array<i32>} : memref<4x64x128xf32, #tpu.memory_space<vmem>>, vector<1x1x16xf32>,
        %parallel_loop3A_476 = vector.shape_cast %parallel_loop3A_475 : vector<1x1x16xf32> to vector<16xf32>
        %parallel_loop3A_477 = vector.shape_cast %parallel_loop3A_470 : vector<16xf32> to vector<1x1x16xf32>
        tpu.vector_store %arg9[%parallel_loop3A_472, %parallel_loop3A_473, %parallel_loop3A_474], %parallel_loop3A_477 {strides = array<i32>} : memref<4x64x128xf32, #tpu.memory_space<vmem>>, vector<1x1x16xf32>,
        %parallel_loop3A_478 = arith.addf %parallel_loop3A_453, %parallel_loop3A_407 : vector<16xf32>
        %parallel_loop3A_479 = arith.constant 3 : i32
        %parallel_loop3A_480 = arith.index_cast %parallel_loop3A_479 : i32 to index
        %parallel_loop3A_481 = arith.index_cast %parallel_loop3A_381 : i32 to index
        %parallel_loop3A_482 = arith.constant 16 : index
        %parallel_loop3A_483 = tpu.vector_load %arg9[%parallel_loop3A_480, %parallel_loop3A_481, %parallel_loop3A_482] {strides = array<i32>} : memref<4x64x128xf32, #tpu.memory_space<vmem>>, vector<1x1x16xf32>,
        %parallel_loop3A_484 = vector.shape_cast %parallel_loop3A_483 : vector<1x1x16xf32> to vector<16xf32>
        %parallel_loop3A_485 = vector.shape_cast %parallel_loop3A_478 : vector<16xf32> to vector<1x1x16xf32>
        tpu.vector_store %arg9[%parallel_loop3A_480, %parallel_loop3A_481, %parallel_loop3A_482], %parallel_loop3A_485 {strides = array<i32>} : memref<4x64x128xf32, #tpu.memory_space<vmem>>, vector<1x1x16xf32>,
        %parallel_loop3A_486 = arith.index_cast %parallel_loop3A_381 : i32 to index
        %parallel_loop3A_487 = arith.constant 32 : index
        %parallel_loop3A_488 = tpu.vector_load %arg5[%parallel_loop3A_486, %parallel_loop3A_487] {strides = array<i32>} : memref<64x128xf32, #tpu.memory_space<vmem>>, vector<1x16xf32>,
        %parallel_loop3A_489 = vector.shape_cast %parallel_loop3A_488 : vector<1x16xf32> to vector<16xf32>
        %parallel_loop3A_490 = arith.addf %parallel_loop3A_489, %parallel_loop3A_384 : vector<16xf32>
        %parallel_loop3A_491 = arith.constant 0 : i32
        %parallel_loop3A_492 = arith.index_cast %parallel_loop3A_491 : i32 to index
        %parallel_loop3A_493 = arith.index_cast %parallel_loop3A_381 : i32 to index
        %parallel_loop3A_494 = arith.constant 32 : index
        %parallel_loop3A_495 = tpu.vector_load %arg9[%parallel_loop3A_492, %parallel_loop3A_493, %parallel_loop3A_494] {strides = array<i32>} : memref<4x64x128xf32, #tpu.memory_space<vmem>>, vector<1x1x16xf32>,
        %parallel_loop3A_496 = vector.shape_cast %parallel_loop3A_495 : vector<1x1x16xf32> to vector<16xf32>
        %parallel_loop3A_497 = vector.shape_cast %parallel_loop3A_490 : vector<16xf32> to vector<1x1x16xf32>
        tpu.vector_store %arg9[%parallel_loop3A_492, %parallel_loop3A_493, %parallel_loop3A_494], %parallel_loop3A_497 {strides = array<i32>} : memref<4x64x128xf32, #tpu.memory_space<vmem>>, vector<1x1x16xf32>,
        %parallel_loop3A_498 = arith.addf %parallel_loop3A_489, %parallel_loop3A_392 : vector<16xf32>
        %parallel_loop3A_499 = arith.constant 1 : i32
        %parallel_loop3A_500 = arith.index_cast %parallel_loop3A_499 : i32 to index
        %parallel_loop3A_501 = arith.index_cast %parallel_loop3A_381 : i32 to index
        %parallel_loop3A_502 = arith.constant 32 : index
        %parallel_loop3A_503 = tpu.vector_load %arg9[%parallel_loop3A_500, %parallel_loop3A_501, %parallel_loop3A_502] {strides = array<i32>} : memref<4x64x128xf32, #tpu.memory_space<vmem>>, vector<1x1x16xf32>,
        %parallel_loop3A_504 = vector.shape_cast %parallel_loop3A_503 : vector<1x1x16xf32> to vector<16xf32>
        %parallel_loop3A_505 = vector.shape_cast %parallel_loop3A_498 : vector<16xf32> to vector<1x1x16xf32>
        tpu.vector_store %arg9[%parallel_loop3A_500, %parallel_loop3A_501, %parallel_loop3A_502], %parallel_loop3A_505 {strides = array<i32>} : memref<4x64x128xf32, #tpu.memory_space<vmem>>, vector<1x1x16xf32>,
        %parallel_loop3A_506 = arith.addf %parallel_loop3A_489, %parallel_loop3A_400 : vector<16xf32>
        %parallel_loop3A_507 = arith.constant 2 : i32
        %parallel_loop3A_508 = arith.index_cast %parallel_loop3A_507 : i32 to index
        %parallel_loop3A_509 = arith.index_cast %parallel_loop3A_381 : i32 to index
        %parallel_loop3A_510 = arith.constant 32 : index
        %parallel_loop3A_511 = tpu.vector_load %arg9[%parallel_loop3A_508, %parallel_loop3A_509, %parallel_loop3A_510] {strides = array<i32>} : memref<4x64x128xf32, #tpu.memory_space<vmem>>, vector<1x1x16xf32>,
        %parallel_loop3A_512 = vector.shape_cast %parallel_loop3A_511 : vector<1x1x16xf32> to vector<16xf32>
        %parallel_loop3A_513 = vector.shape_cast %parallel_loop3A_506 : vector<16xf32> to vector<1x1x16xf32>
        tpu.vector_store %arg9[%parallel_loop3A_508, %parallel_loop3A_509, %parallel_loop3A_510], %parallel_loop3A_513 {strides = array<i32>} : memref<4x64x128xf32, #tpu.memory_space<vmem>>, vector<1x1x16xf32>,
        %parallel_loop3A_514 = arith.addf %parallel_loop3A_489, %parallel_loop3A_408 : vector<16xf32>
        %parallel_loop3A_515 = arith.constant 3 : i32
        %parallel_loop3A_516 = arith.index_cast %parallel_loop3A_515 : i32 to index
        %parallel_loop3A_517 = arith.index_cast %parallel_loop3A_381 : i32 to index
        %parallel_loop3A_518 = arith.constant 32 : index
        %parallel_loop3A_519 = tpu.vector_load %arg9[%parallel_loop3A_516, %parallel_loop3A_517, %parallel_loop3A_518] {strides = array<i32>} : memref<4x64x128xf32, #tpu.memory_space<vmem>>, vector<1x1x16xf32>,
        %parallel_loop3A_520 = vector.shape_cast %parallel_loop3A_519 : vector<1x1x16xf32> to vector<16xf32>
        %parallel_loop3A_521 = vector.shape_cast %parallel_loop3A_514 : vector<16xf32> to vector<1x1x16xf32>
        tpu.vector_store %arg9[%parallel_loop3A_516, %parallel_loop3A_517, %parallel_loop3A_518], %parallel_loop3A_521 {strides = array<i32>} : memref<4x64x128xf32, #tpu.memory_space<vmem>>, vector<1x1x16xf32>,
        %parallel_loop3A_522 = arith.index_cast %parallel_loop3A_381 : i32 to index
        %parallel_loop3A_523 = arith.constant 48 : index
        %parallel_loop3A_524 = tpu.vector_load %arg5[%parallel_loop3A_522, %parallel_loop3A_523] {strides = array<i32>} : memref<64x128xf32, #tpu.memory_space<vmem>>, vector<1x16xf32>,
        %parallel_loop3A_525 = vector.shape_cast %parallel_loop3A_524 : vector<1x16xf32> to vector<16xf32>
        %parallel_loop3A_526 = arith.addf %parallel_loop3A_525, %parallel_loop3A_385 : vector<16xf32>
        %parallel_loop3A_527 = arith.constant 0 : i32
        %parallel_loop3A_528 = arith.index_cast %parallel_loop3A_527 : i32 to index
        %parallel_loop3A_529 = arith.index_cast %parallel_loop3A_381 : i32 to index
        %parallel_loop3A_530 = arith.constant 48 : index
        %parallel_loop3A_531 = tpu.vector_load %arg9[%parallel_loop3A_528, %parallel_loop3A_529, %parallel_loop3A_530] {strides = array<i32>} : memref<4x64x128xf32, #tpu.memory_space<vmem>>, vector<1x1x16xf32>,
        %parallel_loop3A_532 = vector.shape_cast %parallel_loop3A_531 : vector<1x1x16xf32> to vector<16xf32>
        %parallel_loop3A_533 = vector.shape_cast %parallel_loop3A_526 : vector<16xf32> to vector<1x1x16xf32>
        tpu.vector_store %arg9[%parallel_loop3A_528, %parallel_loop3A_529, %parallel_loop3A_530], %parallel_loop3A_533 {strides = array<i32>} : memref<4x64x128xf32, #tpu.memory_space<vmem>>, vector<1x1x16xf32>,
        %parallel_loop3A_534 = arith.addf %parallel_loop3A_525, %parallel_loop3A_393 : vector<16xf32>
        %parallel_loop3A_535 = arith.constant 1 : i32
        %parallel_loop3A_536 = arith.index_cast %parallel_loop3A_535 : i32 to index
        %parallel_loop3A_537 = arith.index_cast %parallel_loop3A_381 : i32 to index
        %parallel_loop3A_538 = arith.constant 48 : index
        %parallel_loop3A_539 = tpu.vector_load %arg9[%parallel_loop3A_536, %parallel_loop3A_537, %parallel_loop3A_538] {strides = array<i32>} : memref<4x64x128xf32, #tpu.memory_space<vmem>>, vector<1x1x16xf32>,
        %parallel_loop3A_540 = vector.shape_cast %parallel_loop3A_539 : vector<1x1x16xf32> to vector<16xf32>
        %parallel_loop3A_541 = vector.shape_cast %parallel_loop3A_534 : vector<16xf32> to vector<1x1x16xf32>
        tpu.vector_store %arg9[%parallel_loop3A_536, %parallel_loop3A_537, %parallel_loop3A_538], %parallel_loop3A_541 {strides = array<i32>} : memref<4x64x128xf32, #tpu.memory_space<vmem>>, vector<1x1x16xf32>,
        %parallel_loop3A_542 = arith.addf %parallel_loop3A_525, %parallel_loop3A_401 : vector<16xf32>
        %parallel_loop3A_543 = arith.constant 2 : i32
        %parallel_loop3A_544 = arith.index_cast %parallel_loop3A_543 : i32 to index
        %parallel_loop3A_545 = arith.index_cast %parallel_loop3A_381 : i32 to index
        %parallel_loop3A_546 = arith.constant 48 : index
        %parallel_loop3A_547 = tpu.vector_load %arg9[%parallel_loop3A_544, %parallel_loop3A_545, %parallel_loop3A_546] {strides = array<i32>} : memref<4x64x128xf32, #tpu.memory_space<vmem>>, vector<1x1x16xf32>,
        %parallel_loop3A_548 = vector.shape_cast %parallel_loop3A_547 : vector<1x1x16xf32> to vector<16xf32>
        %parallel_loop3A_549 = vector.shape_cast %parallel_loop3A_542 : vector<16xf32> to vector<1x1x16xf32>
        tpu.vector_store %arg9[%parallel_loop3A_544, %parallel_loop3A_545, %parallel_loop3A_546], %parallel_loop3A_549 {strides = array<i32>} : memref<4x64x128xf32, #tpu.memory_space<vmem>>, vector<1x1x16xf32>,
        %parallel_loop3A_550 = arith.addf %parallel_loop3A_525, %parallel_loop3A_409 : vector<16xf32>
        %parallel_loop3A_551 = arith.constant 3 : i32
        %parallel_loop3A_552 = arith.index_cast %parallel_loop3A_551 : i32 to index
        %parallel_loop3A_553 = arith.index_cast %parallel_loop3A_381 : i32 to index
        %parallel_loop3A_554 = arith.constant 48 : index
        %parallel_loop3A_555 = tpu.vector_load %arg9[%parallel_loop3A_552, %parallel_loop3A_553, %parallel_loop3A_554] {strides = array<i32>} : memref<4x64x128xf32, #tpu.memory_space<vmem>>, vector<1x1x16xf32>,
        %parallel_loop3A_556 = vector.shape_cast %parallel_loop3A_555 : vector<1x1x16xf32> to vector<16xf32>
        %parallel_loop3A_557 = vector.shape_cast %parallel_loop3A_550 : vector<16xf32> to vector<1x1x16xf32>
        tpu.vector_store %arg9[%parallel_loop3A_552, %parallel_loop3A_553, %parallel_loop3A_554], %parallel_loop3A_557 {strides = array<i32>} : memref<4x64x128xf32, #tpu.memory_space<vmem>>, vector<1x1x16xf32>,
        %parallel_loop3A_558 = arith.index_cast %parallel_loop3A_381 : i32 to index
        %parallel_loop3A_559 = arith.constant 64 : index
        %parallel_loop3A_560 = tpu.vector_load %arg5[%parallel_loop3A_558, %parallel_loop3A_559] {strides = array<i32>} : memref<64x128xf32, #tpu.memory_space<vmem>>, vector<1x16xf32>,
        %parallel_loop3A_561 = vector.shape_cast %parallel_loop3A_560 : vector<1x16xf32> to vector<16xf32>
        %parallel_loop3A_562 = arith.addf %parallel_loop3A_561, %parallel_loop3A_386 : vector<16xf32>
        %parallel_loop3A_563 = arith.constant 0 : i32
        %parallel_loop3A_564 = arith.index_cast %parallel_loop3A_563 : i32 to index
        %parallel_loop3A_565 = arith.index_cast %parallel_loop3A_381 : i32 to index
        %parallel_loop3A_566 = arith.constant 64 : index
        %parallel_loop3A_567 = tpu.vector_load %arg9[%parallel_loop3A_564, %parallel_loop3A_565, %parallel_loop3A_566] {strides = array<i32>} : memref<4x64x128xf32, #tpu.memory_space<vmem>>, vector<1x1x16xf32>,
        %parallel_loop3A_568 = vector.shape_cast %parallel_loop3A_567 : vector<1x1x16xf32> to vector<16xf32>
        %parallel_loop3A_569 = vector.shape_cast %parallel_loop3A_562 : vector<16xf32> to vector<1x1x16xf32>
        tpu.vector_store %arg9[%parallel_loop3A_564, %parallel_loop3A_565, %parallel_loop3A_566], %parallel_loop3A_569 {strides = array<i32>} : memref<4x64x128xf32, #tpu.memory_space<vmem>>, vector<1x1x16xf32>,
        %parallel_loop3A_570 = arith.addf %parallel_loop3A_561, %parallel_loop3A_394 : vector<16xf32>
        %parallel_loop3A_571 = arith.constant 1 : i32
        %parallel_loop3A_572 = arith.index_cast %parallel_loop3A_571 : i32 to index
        %parallel_loop3A_573 = arith.index_cast %parallel_loop3A_381 : i32 to index
        %parallel_loop3A_574 = arith.constant 64 : index
        %parallel_loop3A_575 = tpu.vector_load %arg9[%parallel_loop3A_572, %parallel_loop3A_573, %parallel_loop3A_574] {strides = array<i32>} : memref<4x64x128xf32, #tpu.memory_space<vmem>>, vector<1x1x16xf32>,
        %parallel_loop3A_576 = vector.shape_cast %parallel_loop3A_575 : vector<1x1x16xf32> to vector<16xf32>
        %parallel_loop3A_577 = vector.shape_cast %parallel_loop3A_570 : vector<16xf32> to vector<1x1x16xf32>
        tpu.vector_store %arg9[%parallel_loop3A_572, %parallel_loop3A_573, %parallel_loop3A_574], %parallel_loop3A_577 {strides = array<i32>} : memref<4x64x128xf32, #tpu.memory_space<vmem>>, vector<1x1x16xf32>,
        %parallel_loop3A_578 = arith.addf %parallel_loop3A_561, %parallel_loop3A_402 : vector<16xf32>
        %parallel_loop3A_579 = arith.constant 2 : i32
        %parallel_loop3A_580 = arith.index_cast %parallel_loop3A_579 : i32 to index
        %parallel_loop3A_581 = arith.index_cast %parallel_loop3A_381 : i32 to index
        %parallel_loop3A_582 = arith.constant 64 : index
        %parallel_loop3A_583 = tpu.vector_load %arg9[%parallel_loop3A_580, %parallel_loop3A_581, %parallel_loop3A_582] {strides = array<i32>} : memref<4x64x128xf32, #tpu.memory_space<vmem>>, vector<1x1x16xf32>,
        %parallel_loop3A_584 = vector.shape_cast %parallel_loop3A_583 : vector<1x1x16xf32> to vector<16xf32>
        %parallel_loop3A_585 = vector.shape_cast %parallel_loop3A_578 : vector<16xf32> to vector<1x1x16xf32>
        tpu.vector_store %arg9[%parallel_loop3A_580, %parallel_loop3A_581, %parallel_loop3A_582], %parallel_loop3A_585 {strides = array<i32>} : memref<4x64x128xf32, #tpu.memory_space<vmem>>, vector<1x1x16xf32>,
        %parallel_loop3A_586 = arith.addf %parallel_loop3A_561, %parallel_loop3A_410 : vector<16xf32>
        %parallel_loop3A_587 = arith.constant 3 : i32
        %parallel_loop3A_588 = arith.index_cast %parallel_loop3A_587 : i32 to index
        %parallel_loop3A_589 = arith.index_cast %parallel_loop3A_381 : i32 to index
        %parallel_loop3A_590 = arith.constant 64 : index
        %parallel_loop3A_591 = tpu.vector_load %arg9[%parallel_loop3A_588, %parallel_loop3A_589, %parallel_loop3A_590] {strides = array<i32>} : memref<4x64x128xf32, #tpu.memory_space<vmem>>, vector<1x1x16xf32>,
        %parallel_loop3A_592 = vector.shape_cast %parallel_loop3A_591 : vector<1x1x16xf32> to vector<16xf32>
        %parallel_loop3A_593 = vector.shape_cast %parallel_loop3A_586 : vector<16xf32> to vector<1x1x16xf32>
        tpu.vector_store %arg9[%parallel_loop3A_588, %parallel_loop3A_589, %parallel_loop3A_590], %parallel_loop3A_593 {strides = array<i32>} : memref<4x64x128xf32, #tpu.memory_space<vmem>>, vector<1x1x16xf32>,
        %parallel_loop3A_594 = arith.index_cast %parallel_loop3A_381 : i32 to index
        %parallel_loop3A_595 = arith.constant 80 : index
        %parallel_loop3A_596 = tpu.vector_load %arg5[%parallel_loop3A_594, %parallel_loop3A_595] {strides = array<i32>} : memref<64x128xf32, #tpu.memory_space<vmem>>, vector<1x16xf32>,
        %parallel_loop3A_597 = vector.shape_cast %parallel_loop3A_596 : vector<1x16xf32> to vector<16xf32>
        %parallel_loop3A_598 = arith.addf %parallel_loop3A_597, %parallel_loop3A_387 : vector<16xf32>
        %parallel_loop3A_599 = arith.constant 0 : i32
        %parallel_loop3A_600 = arith.index_cast %parallel_loop3A_599 : i32 to index
        %parallel_loop3A_601 = arith.index_cast %parallel_loop3A_381 : i32 to index
        %parallel_loop3A_602 = arith.constant 80 : index
        %parallel_loop3A_603 = tpu.vector_load %arg9[%parallel_loop3A_600, %parallel_loop3A_601, %parallel_loop3A_602] {strides = array<i32>} : memref<4x64x128xf32, #tpu.memory_space<vmem>>, vector<1x1x16xf32>,
        %parallel_loop3A_604 = vector.shape_cast %parallel_loop3A_603 : vector<1x1x16xf32> to vector<16xf32>
        %parallel_loop3A_605 = vector.shape_cast %parallel_loop3A_598 : vector<16xf32> to vector<1x1x16xf32>
        tpu.vector_store %arg9[%parallel_loop3A_600, %parallel_loop3A_601, %parallel_loop3A_602], %parallel_loop3A_605 {strides = array<i32>} : memref<4x64x128xf32, #tpu.memory_space<vmem>>, vector<1x1x16xf32>,
        %parallel_loop3A_606 = arith.addf %parallel_loop3A_597, %parallel_loop3A_395 : vector<16xf32>
        %parallel_loop3A_607 = arith.constant 1 : i32
        %parallel_loop3A_608 = arith.index_cast %parallel_loop3A_607 : i32 to index
        %parallel_loop3A_609 = arith.index_cast %parallel_loop3A_381 : i32 to index
        %parallel_loop3A_610 = arith.constant 80 : index
        %parallel_loop3A_611 = tpu.vector_load %arg9[%parallel_loop3A_608, %parallel_loop3A_609, %parallel_loop3A_610] {strides = array<i32>} : memref<4x64x128xf32, #tpu.memory_space<vmem>>, vector<1x1x16xf32>,
        %parallel_loop3A_612 = vector.shape_cast %parallel_loop3A_611 : vector<1x1x16xf32> to vector<16xf32>
        %parallel_loop3A_613 = vector.shape_cast %parallel_loop3A_606 : vector<16xf32> to vector<1x1x16xf32>
        tpu.vector_store %arg9[%parallel_loop3A_608, %parallel_loop3A_609, %parallel_loop3A_610], %parallel_loop3A_613 {strides = array<i32>} : memref<4x64x128xf32, #tpu.memory_space<vmem>>, vector<1x1x16xf32>,
        %parallel_loop3A_614 = arith.addf %parallel_loop3A_597, %parallel_loop3A_403 : vector<16xf32>
        %parallel_loop3A_615 = arith.constant 2 : i32
        %parallel_loop3A_616 = arith.index_cast %parallel_loop3A_615 : i32 to index
        %parallel_loop3A_617 = arith.index_cast %parallel_loop3A_381 : i32 to index
        %parallel_loop3A_618 = arith.constant 80 : index
        %parallel_loop3A_619 = tpu.vector_load %arg9[%parallel_loop3A_616, %parallel_loop3A_617, %parallel_loop3A_618] {strides = array<i32>} : memref<4x64x128xf32, #tpu.memory_space<vmem>>, vector<1x1x16xf32>,
        %parallel_loop3A_620 = vector.shape_cast %parallel_loop3A_619 : vector<1x1x16xf32> to vector<16xf32>
        %parallel_loop3A_621 = vector.shape_cast %parallel_loop3A_614 : vector<16xf32> to vector<1x1x16xf32>
        tpu.vector_store %arg9[%parallel_loop3A_616, %parallel_loop3A_617, %parallel_loop3A_618], %parallel_loop3A_621 {strides = array<i32>} : memref<4x64x128xf32, #tpu.memory_space<vmem>>, vector<1x1x16xf32>,
        %parallel_loop3A_622 = arith.addf %parallel_loop3A_597, %parallel_loop3A_411 : vector<16xf32>
        %parallel_loop3A_623 = arith.constant 3 : i32
        %parallel_loop3A_624 = arith.index_cast %parallel_loop3A_623 : i32 to index
        %parallel_loop3A_625 = arith.index_cast %parallel_loop3A_381 : i32 to index
        %parallel_loop3A_626 = arith.constant 80 : index
        %parallel_loop3A_627 = tpu.vector_load %arg9[%parallel_loop3A_624, %parallel_loop3A_625, %parallel_loop3A_626] {strides = array<i32>} : memref<4x64x128xf32, #tpu.memory_space<vmem>>, vector<1x1x16xf32>,
        %parallel_loop3A_628 = vector.shape_cast %parallel_loop3A_627 : vector<1x1x16xf32> to vector<16xf32>
        %parallel_loop3A_629 = vector.shape_cast %parallel_loop3A_622 : vector<16xf32> to vector<1x1x16xf32>
        tpu.vector_store %arg9[%parallel_loop3A_624, %parallel_loop3A_625, %parallel_loop3A_626], %parallel_loop3A_629 {strides = array<i32>} : memref<4x64x128xf32, #tpu.memory_space<vmem>>, vector<1x1x16xf32>,
        %parallel_loop3A_630 = arith.index_cast %parallel_loop3A_381 : i32 to index
        %parallel_loop3A_631 = arith.constant 96 : index
        %parallel_loop3A_632 = tpu.vector_load %arg5[%parallel_loop3A_630, %parallel_loop3A_631] {strides = array<i32>} : memref<64x128xf32, #tpu.memory_space<vmem>>, vector<1x16xf32>,
        %parallel_loop3A_633 = vector.shape_cast %parallel_loop3A_632 : vector<1x16xf32> to vector<16xf32>
        %parallel_loop3A_634 = arith.addf %parallel_loop3A_633, %parallel_loop3A_388 : vector<16xf32>
        %parallel_loop3A_635 = arith.constant 0 : i32
        %parallel_loop3A_636 = arith.index_cast %parallel_loop3A_635 : i32 to index
        %parallel_loop3A_637 = arith.index_cast %parallel_loop3A_381 : i32 to index
        %parallel_loop3A_638 = arith.constant 96 : index
        %parallel_loop3A_639 = tpu.vector_load %arg9[%parallel_loop3A_636, %parallel_loop3A_637, %parallel_loop3A_638] {strides = array<i32>} : memref<4x64x128xf32, #tpu.memory_space<vmem>>, vector<1x1x16xf32>,
        %parallel_loop3A_640 = vector.shape_cast %parallel_loop3A_639 : vector<1x1x16xf32> to vector<16xf32>
        %parallel_loop3A_641 = vector.shape_cast %parallel_loop3A_634 : vector<16xf32> to vector<1x1x16xf32>
        tpu.vector_store %arg9[%parallel_loop3A_636, %parallel_loop3A_637, %parallel_loop3A_638], %parallel_loop3A_641 {strides = array<i32>} : memref<4x64x128xf32, #tpu.memory_space<vmem>>, vector<1x1x16xf32>,
        %parallel_loop3A_642 = arith.addf %parallel_loop3A_633, %parallel_loop3A_396 : vector<16xf32>
        %parallel_loop3A_643 = arith.constant 1 : i32
        %parallel_loop3A_644 = arith.index_cast %parallel_loop3A_643 : i32 to index
        %parallel_loop3A_645 = arith.index_cast %parallel_loop3A_381 : i32 to index
        %parallel_loop3A_646 = arith.constant 96 : index
        %parallel_loop3A_647 = tpu.vector_load %arg9[%parallel_loop3A_644, %parallel_loop3A_645, %parallel_loop3A_646] {strides = array<i32>} : memref<4x64x128xf32, #tpu.memory_space<vmem>>, vector<1x1x16xf32>,
        %parallel_loop3A_648 = vector.shape_cast %parallel_loop3A_647 : vector<1x1x16xf32> to vector<16xf32>
        %parallel_loop3A_649 = vector.shape_cast %parallel_loop3A_642 : vector<16xf32> to vector<1x1x16xf32>
        tpu.vector_store %arg9[%parallel_loop3A_644, %parallel_loop3A_645, %parallel_loop3A_646], %parallel_loop3A_649 {strides = array<i32>} : memref<4x64x128xf32, #tpu.memory_space<vmem>>, vector<1x1x16xf32>,
        %parallel_loop3A_650 = arith.addf %parallel_loop3A_633, %parallel_loop3A_404 : vector<16xf32>
        %parallel_loop3A_651 = arith.constant 2 : i32
        %parallel_loop3A_652 = arith.index_cast %parallel_loop3A_651 : i32 to index
        %parallel_loop3A_653 = arith.index_cast %parallel_loop3A_381 : i32 to index
        %parallel_loop3A_654 = arith.constant 96 : index
        %parallel_loop3A_655 = tpu.vector_load %arg9[%parallel_loop3A_652, %parallel_loop3A_653, %parallel_loop3A_654] {strides = array<i32>} : memref<4x64x128xf32, #tpu.memory_space<vmem>>, vector<1x1x16xf32>,
        %parallel_loop3A_656 = vector.shape_cast %parallel_loop3A_655 : vector<1x1x16xf32> to vector<16xf32>
        %parallel_loop3A_657 = vector.shape_cast %parallel_loop3A_650 : vector<16xf32> to vector<1x1x16xf32>
        tpu.vector_store %arg9[%parallel_loop3A_652, %parallel_loop3A_653, %parallel_loop3A_654], %parallel_loop3A_657 {strides = array<i32>} : memref<4x64x128xf32, #tpu.memory_space<vmem>>, vector<1x1x16xf32>,
        %parallel_loop3A_658 = arith.addf %parallel_loop3A_633, %parallel_loop3A_412 : vector<16xf32>
        %parallel_loop3A_659 = arith.constant 3 : i32
        %parallel_loop3A_660 = arith.index_cast %parallel_loop3A_659 : i32 to index
        %parallel_loop3A_661 = arith.index_cast %parallel_loop3A_381 : i32 to index
        %parallel_loop3A_662 = arith.constant 96 : index
        %parallel_loop3A_663 = tpu.vector_load %arg9[%parallel_loop3A_660, %parallel_loop3A_661, %parallel_loop3A_662] {strides = array<i32>} : memref<4x64x128xf32, #tpu.memory_space<vmem>>, vector<1x1x16xf32>,
        %parallel_loop3A_664 = vector.shape_cast %parallel_loop3A_663 : vector<1x1x16xf32> to vector<16xf32>
        %parallel_loop3A_665 = vector.shape_cast %parallel_loop3A_658 : vector<16xf32> to vector<1x1x16xf32>
        tpu.vector_store %arg9[%parallel_loop3A_660, %parallel_loop3A_661, %parallel_loop3A_662], %parallel_loop3A_665 {strides = array<i32>} : memref<4x64x128xf32, #tpu.memory_space<vmem>>, vector<1x1x16xf32>,
        %parallel_loop3A_666 = arith.index_cast %parallel_loop3A_381 : i32 to index
        %parallel_loop3A_667 = arith.constant 112 : index
        %parallel_loop3A_668 = tpu.vector_load %arg5[%parallel_loop3A_666, %parallel_loop3A_667] {strides = array<i32>} : memref<64x128xf32, #tpu.memory_space<vmem>>, vector<1x16xf32>,
        %parallel_loop3A_669 = vector.shape_cast %parallel_loop3A_668 : vector<1x16xf32> to vector<16xf32>
        %parallel_loop3A_670 = arith.addf %parallel_loop3A_669, %parallel_loop3A_389 : vector<16xf32>
        %parallel_loop3A_671 = arith.constant 0 : i32
        %parallel_loop3A_672 = arith.index_cast %parallel_loop3A_671 : i32 to index
        %parallel_loop3A_673 = arith.index_cast %parallel_loop3A_381 : i32 to index
        %parallel_loop3A_674 = arith.constant 112 : index
        %parallel_loop3A_675 = tpu.vector_load %arg9[%parallel_loop3A_672, %parallel_loop3A_673, %parallel_loop3A_674] {strides = array<i32>} : memref<4x64x128xf32, #tpu.memory_space<vmem>>, vector<1x1x16xf32>,
        %parallel_loop3A_676 = vector.shape_cast %parallel_loop3A_675 : vector<1x1x16xf32> to vector<16xf32>
        %parallel_loop3A_677 = vector.shape_cast %parallel_loop3A_670 : vector<16xf32> to vector<1x1x16xf32>
        tpu.vector_store %arg9[%parallel_loop3A_672, %parallel_loop3A_673, %parallel_loop3A_674], %parallel_loop3A_677 {strides = array<i32>} : memref<4x64x128xf32, #tpu.memory_space<vmem>>, vector<1x1x16xf32>,
        %parallel_loop3A_678 = arith.addf %parallel_loop3A_669, %parallel_loop3A_397 : vector<16xf32>
        %parallel_loop3A_679 = arith.constant 1 : i32
        %parallel_loop3A_680 = arith.index_cast %parallel_loop3A_679 : i32 to index
        %parallel_loop3A_681 = arith.index_cast %parallel_loop3A_381 : i32 to index
        %parallel_loop3A_682 = arith.constant 112 : index
        %parallel_loop3A_683 = tpu.vector_load %arg9[%parallel_loop3A_680, %parallel_loop3A_681, %parallel_loop3A_682] {strides = array<i32>} : memref<4x64x128xf32, #tpu.memory_space<vmem>>, vector<1x1x16xf32>,
        %parallel_loop3A_684 = vector.shape_cast %parallel_loop3A_683 : vector<1x1x16xf32> to vector<16xf32>
        %parallel_loop3A_685 = vector.shape_cast %parallel_loop3A_678 : vector<16xf32> to vector<1x1x16xf32>
        tpu.vector_store %arg9[%parallel_loop3A_680, %parallel_loop3A_681, %parallel_loop3A_682], %parallel_loop3A_685 {strides = array<i32>} : memref<4x64x128xf32, #tpu.memory_space<vmem>>, vector<1x1x16xf32>,
        %parallel_loop3A_686 = arith.addf %parallel_loop3A_669, %parallel_loop3A_405 : vector<16xf32>
        %parallel_loop3A_687 = arith.constant 2 : i32
        %parallel_loop3A_688 = arith.index_cast %parallel_loop3A_687 : i32 to index
        %parallel_loop3A_689 = arith.index_cast %parallel_loop3A_381 : i32 to index
        %parallel_loop3A_690 = arith.constant 112 : index
        %parallel_loop3A_691 = tpu.vector_load %arg9[%parallel_loop3A_688, %parallel_loop3A_689, %parallel_loop3A_690] {strides = array<i32>} : memref<4x64x128xf32, #tpu.memory_space<vmem>>, vector<1x1x16xf32>,
        %parallel_loop3A_692 = vector.shape_cast %parallel_loop3A_691 : vector<1x1x16xf32> to vector<16xf32>
        %parallel_loop3A_693 = vector.shape_cast %parallel_loop3A_686 : vector<16xf32> to vector<1x1x16xf32>
        tpu.vector_store %arg9[%parallel_loop3A_688, %parallel_loop3A_689, %parallel_loop3A_690], %parallel_loop3A_693 {strides = array<i32>} : memref<4x64x128xf32, #tpu.memory_space<vmem>>, vector<1x1x16xf32>,
        %parallel_loop3A_694 = arith.addf %parallel_loop3A_669, %parallel_loop3A_413 : vector<16xf32>
        %parallel_loop3A_695 = arith.constant 3 : i32
        %parallel_loop3A_696 = arith.index_cast %parallel_loop3A_695 : i32 to index
        %parallel_loop3A_697 = arith.index_cast %parallel_loop3A_381 : i32 to index
        %parallel_loop3A_698 = arith.constant 112 : index
        %parallel_loop3A_699 = tpu.vector_load %arg9[%parallel_loop3A_696, %parallel_loop3A_697, %parallel_loop3A_698] {strides = array<i32>} : memref<4x64x128xf32, #tpu.memory_space<vmem>>, vector<1x1x16xf32>,
        %parallel_loop3A_700 = vector.shape_cast %parallel_loop3A_699 : vector<1x1x16xf32> to vector<16xf32>
        %parallel_loop3A_701 = vector.shape_cast %parallel_loop3A_694 : vector<16xf32> to vector<1x1x16xf32>
        tpu.vector_store %arg9[%parallel_loop3A_696, %parallel_loop3A_697, %parallel_loop3A_698], %parallel_loop3A_701 {strides = array<i32>} : memref<4x64x128xf32, #tpu.memory_space<vmem>>, vector<1x1x16xf32>,
        %parallel_loop3A_702 = arith.constant 62 : i32
        %parallel_loop3A_703 = arith.subi %parallel_loop3A_702, %parallel_loop3A_381 : i32
        %parallel_loop3A_704 = arith.constant 0 : i32
        %parallel_loop3A_705 = arith.maxsi %parallel_loop3A_703, %parallel_loop3A_704 : i32
        %parallel_loop3A_706 = arith.constant 128 : i32
        %parallel_loop3A_707 = arith.muli %parallel_loop3A_705, %parallel_loop3A_706 : i32
        %parallel_loop3A_708 = arith.constant 0 : i32
        %parallel_loop3A_709 = arith.addi %parallel_loop3A_707, %parallel_loop3A_708 : i32
        %parallel_loop3A_710 = arith.index_cast %parallel_loop3A_709 : i32 to index
        %parallel_loop3A_711 = tpu.vector_load %arg7[%parallel_loop3A_710] {strides = array<i32>} : memref<8576xf32, #tpu.memory_space<vmem>>, vector<16xf32>,
        %parallel_loop3A_712 = vector.shape_cast %parallel_loop3A_711 : vector<16xf32> to vector<16xf32>
        %parallel_loop3A_713 = arith.constant 128 : i32
        %parallel_loop3A_714 = arith.muli %parallel_loop3A_705, %parallel_loop3A_713 : i32
        %parallel_loop3A_715 = arith.constant 16 : i32
        %parallel_loop3A_716 = arith.addi %parallel_loop3A_714, %parallel_loop3A_715 : i32
        %parallel_loop3A_717 = arith.index_cast %parallel_loop3A_716 : i32 to index
        %parallel_loop3A_718 = tpu.vector_load %arg7[%parallel_loop3A_717] {strides = array<i32>} : memref<8576xf32, #tpu.memory_space<vmem>>, vector<16xf32>,
        %parallel_loop3A_719 = vector.shape_cast %parallel_loop3A_718 : vector<16xf32> to vector<16xf32>
        %parallel_loop3A_720 = arith.constant 128 : i32
        %parallel_loop3A_721 = arith.muli %parallel_loop3A_705, %parallel_loop3A_720 : i32
        %parallel_loop3A_722 = arith.constant 32 : i32
        %parallel_loop3A_723 = arith.addi %parallel_loop3A_721, %parallel_loop3A_722 : i32
        %parallel_loop3A_724 = arith.index_cast %parallel_loop3A_723 : i32 to index
        %parallel_loop3A_725 = tpu.vector_load %arg7[%parallel_loop3A_724] {strides = array<i32>} : memref<8576xf32, #tpu.memory_space<vmem>>, vector<16xf32>,
        %parallel_loop3A_726 = vector.shape_cast %parallel_loop3A_725 : vector<16xf32> to vector<16xf32>
        %parallel_loop3A_727 = arith.constant 128 : i32
        %parallel_loop3A_728 = arith.muli %parallel_loop3A_705, %parallel_loop3A_727 : i32
        %parallel_loop3A_729 = arith.constant 48 : i32
        %parallel_loop3A_730 = arith.addi %parallel_loop3A_728, %parallel_loop3A_729 : i32
        %parallel_loop3A_731 = arith.index_cast %parallel_loop3A_730 : i32 to index
        %parallel_loop3A_732 = tpu.vector_load %arg7[%parallel_loop3A_731] {strides = array<i32>} : memref<8576xf32, #tpu.memory_space<vmem>>, vector<16xf32>,
        %parallel_loop3A_733 = vector.shape_cast %parallel_loop3A_732 : vector<16xf32> to vector<16xf32>
        %parallel_loop3A_734 = arith.constant 128 : i32
        %parallel_loop3A_735 = arith.muli %parallel_loop3A_705, %parallel_loop3A_734 : i32
        %parallel_loop3A_736 = arith.constant 64 : i32
        %parallel_loop3A_737 = arith.addi %parallel_loop3A_735, %parallel_loop3A_736 : i32
        %parallel_loop3A_738 = arith.index_cast %parallel_loop3A_737 : i32 to index
        %parallel_loop3A_739 = tpu.vector_load %arg7[%parallel_loop3A_738] {strides = array<i32>} : memref<8576xf32, #tpu.memory_space<vmem>>, vector<16xf32>,
        %parallel_loop3A_740 = vector.shape_cast %parallel_loop3A_739 : vector<16xf32> to vector<16xf32>
        %parallel_loop3A_741 = arith.constant 128 : i32
        %parallel_loop3A_742 = arith.muli %parallel_loop3A_705, %parallel_loop3A_741 : i32
        %parallel_loop3A_743 = arith.constant 80 : i32
        %parallel_loop3A_744 = arith.addi %parallel_loop3A_742, %parallel_loop3A_743 : i32
        %parallel_loop3A_745 = arith.index_cast %parallel_loop3A_744 : i32 to index
        %parallel_loop3A_746 = tpu.vector_load %arg7[%parallel_loop3A_745] {strides = array<i32>} : memref<8576xf32, #tpu.memory_space<vmem>>, vector<16xf32>,
        %parallel_loop3A_747 = vector.shape_cast %parallel_loop3A_746 : vector<16xf32> to vector<16xf32>
        %parallel_loop3A_748 = arith.constant 128 : i32
        %parallel_loop3A_749 = arith.muli %parallel_loop3A_705, %parallel_loop3A_748 : i32
        %parallel_loop3A_750 = arith.constant 96 : i32
        %parallel_loop3A_751 = arith.addi %parallel_loop3A_749, %parallel_loop3A_750 : i32
        %parallel_loop3A_752 = arith.index_cast %parallel_loop3A_751 : i32 to index
        %parallel_loop3A_753 = tpu.vector_load %arg7[%parallel_loop3A_752] {strides = array<i32>} : memref<8576xf32, #tpu.memory_space<vmem>>, vector<16xf32>,
        %parallel_loop3A_754 = vector.shape_cast %parallel_loop3A_753 : vector<16xf32> to vector<16xf32>
        %parallel_loop3A_755 = arith.constant 128 : i32
        %parallel_loop3A_756 = arith.muli %parallel_loop3A_705, %parallel_loop3A_755 : i32
        %parallel_loop3A_757 = arith.constant 112 : i32
        %parallel_loop3A_758 = arith.addi %parallel_loop3A_756, %parallel_loop3A_757 : i32
        %parallel_loop3A_759 = arith.index_cast %parallel_loop3A_758 : i32 to index
        %parallel_loop3A_760 = tpu.vector_load %arg7[%parallel_loop3A_759] {strides = array<i32>} : memref<8576xf32, #tpu.memory_space<vmem>>, vector<16xf32>,
        %parallel_loop3A_761 = vector.shape_cast %parallel_loop3A_760 : vector<16xf32> to vector<16xf32>
        scf.yield %parallel_loop3A_712, %parallel_loop3A_719, %parallel_loop3A_726, %parallel_loop3A_733, %parallel_loop3A_740, %parallel_loop3A_747, %parallel_loop3A_754, %parallel_loop3A_761, %parallel_loop3A_382, %parallel_loop3A_383, %parallel_loop3A_384, %parallel_loop3A_385, %parallel_loop3A_386, %parallel_loop3A_387, %parallel_loop3A_388, %parallel_loop3A_389, %parallel_loop3A_390, %parallel_loop3A_391, %parallel_loop3A_392, %parallel_loop3A_393, %parallel_loop3A_394, %parallel_loop3A_395, %parallel_loop3A_396, %parallel_loop3A_397, %parallel_loop3A_398, %parallel_loop3A_399, %parallel_loop3A_400, %parallel_loop3A_401, %parallel_loop3A_402, %parallel_loop3A_403, %parallel_loop3A_404, %parallel_loop3A_405 : vector<16xf32>, vector<16xf32>, vector<16xf32>, vector<16xf32>, vector<16xf32>, vector<16xf32>, vector<16xf32>, vector<16xf32>, vector<16xf32>, vector<16xf32>, vector<16xf32>, vector<16xf32>, vector<16xf32>, vector<16xf32>, vector<16xf32>, vector<16xf32>, vector<16xf32>, vector<16xf32>, vector<16xf32>, vector<16xf32>, vector<16xf32>, vector<16xf32>, vector<16xf32>, vector<16xf32>, vector<16xf32>, vector<16xf32>, vector<16xf32>, vector<16xf32>, vector<16xf32>, vector<16xf32>, vector<16xf32>, vector<16xf32>
      } {sc.loop_unroll_factor = 1 : i64, sc.parallel_access}
      %dma_start3A_376 = arith.constant 0 : i32
      %dma_start3A_377 = tpu.memref_slice %arg4[%add3A_238, %mul3A_240, %dma_start3A_376] : memref<1024x1024x128xf32, #tpu.memory_space<hbm>> -> memref<4x64x128xf32, #tpu.memory_space<hbm>>
      %dma_start3A_378 = arith.constant 0 : i32
      %dma_start3A_379 = tpu.memref_slice %arg4[%add3A_238, %mul3A_240, %dma_start3A_378] : memref<1024x1024x128xf32, #tpu.memory_space<hbm>> -> memref<4x64x128xf32, #tpu.memory_space<hbm>>
      tpu.enqueue_dma source(%arg9 : memref<4x64x128xf32, #tpu.memory_space<vmem>>) target(%dma_start3A_379 : memref<4x64x128xf32, #tpu.memory_space<hbm>>) target_semaphore(%arg13 : memref<!tpu.dma_semaphore, #tpu.memory_space<semaphore_mem>>)
      %scan3A_380 = arith.constant 0 : i32
      scf.yield %scan3A_380 : i32
    }
    %scan3A_23 = arith.constant 64 : i32
    %dma_wait3A = arith.constant 0 : i32
    %dma_wait3A_24 = arith.constant 0 : i32
    %dma_wait3A_25 = arith.constant 0 : i32
    %dma_wait3A_26 = tpu.memref_slice %arg4[%dma_wait3A, %dma_wait3A_24, %dma_wait3A_25] : memref<1024x1024x128xf32, #tpu.memory_space<hbm>> -> memref<4x64x128xf32, #tpu.memory_space<hbm>>
    %dma_wait3A_27 = arith.constant 0 : i32
    %dma_wait3A_28 = arith.constant 0 : i32
    %dma_wait3A_29 = arith.constant 0 : i32
    %dma_wait3A_30 = tpu.memref_slice %arg4[%dma_wait3A_27, %dma_wait3A_28, %dma_wait3A_29] : memref<1024x1024x128xf32, #tpu.memory_space<hbm>> -> memref<4x64x128xf32, #tpu.memory_space<hbm>>
    tpu.wait_dma2 semaphore(%arg12 : memref<!tpu.dma_semaphore, #tpu.memory_space<semaphore_mem>>) src(%dma_wait3A_30 : memref<4x64x128xf32, #tpu.memory_space<hbm>>) dst(%arg8 : memref<4x64x128xf32, #tpu.memory_space<vmem>>)
    %dma_wait3A_31 = arith.constant 0 : i32
    %dma_wait3A_32 = arith.constant 0 : i32
    %dma_wait3A_33 = arith.constant 0 : i32
    %dma_wait3A_34 = tpu.memref_slice %arg4[%dma_wait3A_31, %dma_wait3A_32, %dma_wait3A_33] : memref<1024x1024x128xf32, #tpu.memory_space<hbm>> -> memref<4x64x128xf32, #tpu.memory_space<hbm>>
    %dma_wait3A_35 = arith.constant 0 : i32
    %dma_wait3A_36 = arith.constant 0 : i32
    %dma_wait3A_37 = arith.constant 0 : i32
    %dma_wait3A_38 = tpu.memref_slice %arg4[%dma_wait3A_35, %dma_wait3A_36, %dma_wait3A_37] : memref<1024x1024x128xf32, #tpu.memory_space<hbm>> -> memref<4x64x128xf32, #tpu.memory_space<hbm>>
    tpu.wait_dma2 semaphore(%arg13 : memref<!tpu.dma_semaphore, #tpu.memory_space<semaphore_mem>>) src(%dma_wait3A_38 : memref<4x64x128xf32, #tpu.memory_space<hbm>>) dst(%arg9 : memref<4x64x128xf32, #tpu.memory_space<vmem>>)
    return
  }
}

</mosaic_0001>

<sc_bundles>
// kernel: kernel.3.cloned.1.call-start
scs
__scs_entry_jumppad:
0x0: {  	(pc) =	sbr.rel $0x88, $3  }
0x1: {  	(tag) =	ssettag $0x0;
	lr =	simm.s32 $0x1  }
0x2: {  	[smem:$0x3F9F] =	sst lr;
	_ =	strace $0xD0000000  }
0x3: {  	_ = 	snop  }
0x4: {  	_ = 	snop  }
0x5: {  	_ = 	snop  }
0x6: {  	_ = 	snop  }
0x7: {  	_ = 	snop  }
__scs_overlays_trampoline_lowered:
0x8: {  	[smem:$0x3FAE] =	sst s0  }
0x9: {  	[smem:$0x3FAF] =	sst s1  }
0xa: {  	[smem:$0x3FB0] =	sst s2  }
0xb: {  	[smem:$0x3FB1] =	sst s3  }
0xc: {  	[smem:$0x3FB2] =	sst s4  }
0xd: {  	[smem:$0x3FB3] =	sst s5  }
0xe: {  	[smem:$0x3FB4] =	sst s6  }
0xf: {  	[smem:$0x3FB5] =	sst s7  }
0x10: {  	[smem:$0x3FB6] =	sst s8  }
0x11: {  	[smem:$0x3FB7] =	sst s9;
	s0 =	simm.s32 @!p0 $0x0  }
0x12: {  	s1 =	sld [smem:$0x3F9D];
	s0 =	simm.s32 @p0 $0x1  }
0x13: {  	[smem:$0x3FB8] =	sst s0;
	s0 =	simm.s32 @!p1 $0x0  }
0x14: {  	s2 =	sld [smem:$0x3F9C];
	s0 =	simm.s32 @p1 $0x1  }
0x15: {  	[smem:$0x3FB9] =	sst s0;
	s0 =	simm.s32 @!p2 $0x0  }
0x16: {  	s3 =	sld [smem:$0x3FDB];
	s0 =	simm.s32 @p2 $0x1  }
0x17: {  	s4 =	simm.s32 $0x1BF5;
	[smem:$0x3FBB] =	sst s0  }
0x18: {  	s0 =	sld [smem:$0x3F9E];
	_ =	swait.ge [sflag:s4], $0x0  }
0x19: {  	s7 =	sld [smem:$0x3F9F]  }
0x1a: {  	s8 =	sadd.s32 $0xFFFFE003, lr  }
0x1b: {  	s9 =	sadd.s32 $0xFFFFFEF7, lr;
	s5 =	simm.s32 $0xFFFFFFFF;
	p2 =	slt.u32 s8, $0xFFFFF086  }
0x1c: {  	p1 =	slt.u32 s9, $0xF7A;
	s5 =	simm.s32 @!p2 $0x0  }
0x1d: {  	s5 =	simm.s32 @p1 $0x1;
	p0 =	seq.s32 s7, s2  }
0x1e: {  	s7 =	smul.u32 @!p0 $0xF7A, s2;
	p2 =	seq.s32 @!p0 s5, $0x0  }
0x1f: {  	s9 =	smul.u32 $0xF7A, s1;
	s8 =	simm.s32 @!p0 $0x1BF5;
	p2 =	por !p2, p0  }
0x20: {  	[sflag:s8] =	ssyncset.s32 @!p0 $0xFFFFF086;
	s6 =	sadd.s32 @!p0 s3, s7;
	s7 =	simm.s32 @!p0 $0x108  }
0x21: {  	s3 =	sadd.s32 s3, s9;
	s6 =	sadd.s32 @!p0 $0x88, s6;
	s7 =	simm.s32 @p2 $0x1082  }
0x22: {  	[simem:s7], [sflag:s8] =	dma.local @!p0 [hbm:s6], $0xF7A  }
0x23: {  	s9 =	sor.u32 $0xD0000000, s2;
	s6 =	simm.s32 $0x108;
	_ =	swait.ge @!p0 [sflag:s8], $0x0  }
0x24: {  	s3 =	sadd.s32 $0x88, s3;
	s6 =	simm.s32 @!p1 $0x1082;
	[sflag:s4] =	ssyncset.s32 $0xFFFFF086  }
0x25: {  	[simem:s6], [sflag:s4] =	dma.local [hbm:s3], $0xF7A  }
0x26: {  	[smem:$0x3F9F] =	sst s1;
	(tag) =	ssettag s2;
	_ =	strace s9  }
0x27: {  	s1 =	sld [smem:$0x3FAF]  }
0x28: {  	s2 =	sld [smem:$0x3FB0]  }
0x29: {  	s4 =	sld [smem:$0x3FB2]  }
0x2a: {  	p0 =	seq.s32 s5, $0x0;
	s5 =	sld [smem:$0x3FB3]  }
0x2b: {  	s6 =	sld [smem:$0x3FB4]  }
0x2c: {  	s7 =	sld [smem:$0x3FB5]  }
0x2d: {  	s3 =	simm.s32 $0x108;
	s8 =	sld [smem:$0x3FB6]  }
0x2e: {  	s3 =	simm.s32 @!p0 $0x1082;
	s9 =	sld [smem:$0x3FB7]  }
0x2f: {  	lr =	sadd.s32 s0, s3;
	s0 =	sld [smem:$0x3FAE]  }
0x30: {  	s3 =	sld [smem:$0x3FB1]  }
0x31: {  	[smem:$0x3FBA] =	sst s10  }
0x32: {  	s10 =	sld [smem:$0x3FB8];
	_ =	sdelay $0x3  }
0x33: {  	p0 =	seq.s32 s10, $0x1;
	s10 =	sld [smem:$0x3FBA];
	_ =	sdelay $0x3  }
0x34: {  	[smem:$0x3FBA] =	sst s10  }
0x35: {  	s10 =	sld [smem:$0x3FB9];
	_ =	sdelay $0x3  }
0x36: {  	p1 =	seq.s32 s10, $0x1;
	s10 =	sld [smem:$0x3FBA];
	_ =	sdelay $0x3  }
0x37: {  	[smem:$0x3FBA] =	sst s10  }
0x38: {  	s10 =	sld [smem:$0x3FBB]  }
0x39: {  	_ = 	snop;
	(pc) =	sbr.ind lr, $3  }
0x3a: {  	_ = 	snop  }
0x3b: {  	_ = 	snop  }
0x3c: {  	p2 =	seq.s32 s10, $0x1;
	s10 =	sld [smem:$0x3FBA]  }
0x3d: {  	_ =	shalt  }
0x3e: {  	_ =	shalt  }
0x3f: {  	_ =	shalt  }
0x40: {  	_ =	shalt  }
0x41: {  	_ =	shalt  }
0x42: {  	_ =	shalt  }
0x43: {  	_ =	shalt  }
0x44: {  	_ =	shalt  }
0x45: {  	_ =	shalt  }
0x46: {  	_ =	shalt  }
0x47: {  	_ =	shalt  }
0x48: {  	_ =	shalt  }
0x49: {  	_ =	shalt  }
0x4a: {  	_ =	shalt  }
0x4b: {  	_ =	shalt  }
0x4c: {  	_ =	shalt  }
0x4d: {  	_ =	shalt  }
0x4e: {  	_ =	shalt  }
0x4f: {  	_ =	shalt  }
0x50: {  	_ =	shalt  }
0x51: {  	_ =	shalt  }
0x52: {  	_ =	shalt  }
0x53: {  	_ =	shalt  }
0x54: {  	_ =	shalt  }
0x55: {  	_ =	shalt  }
0x56: {  	_ =	shalt  }
0x57: {  	_ =	shalt  }
0x58: {  	_ =	shalt  }
0x59: {  	_ =	shalt  }
0x5a: {  	_ =	shalt  }
0x5b: {  	_ =	shalt  }
0x5c: {  	_ =	shalt  }
0x5d: {  	_ =	shalt  }
0x5e: {  	_ =	shalt  }
0x5f: {  	_ =	shalt  }
0x60: {  	_ =	shalt  }
0x61: {  	_ =	shalt  }
0x62: {  	_ =	shalt  }
0x63: {  	_ =	shalt  }
0x64: {  	_ =	shalt  }
0x65: {  	_ =	shalt  }
0x66: {  	_ =	shalt  }
0x67: {  	_ =	shalt  }
0x68: {  	_ =	shalt  }
0x69: {  	_ =	shalt  }
0x6a: {  	_ =	shalt  }
0x6b: {  	_ =	shalt  }
0x6c: {  	_ =	shalt  }
0x6d: {  	_ =	shalt  }
0x6e: {  	_ =	shalt  }
0x6f: {  	_ =	shalt  }
0x70: {  	_ =	shalt  }
0x71: {  	_ =	shalt  }
0x72: {  	_ =	shalt  }
0x73: {  	_ =	shalt  }
0x74: {  	_ =	shalt  }
0x75: {  	_ =	shalt  }
0x76: {  	_ =	shalt  }
0x77: {  	_ =	shalt  }
0x78: {  	_ =	shalt  }
0x79: {  	_ =	shalt  }
0x7a: {  	_ =	shalt  }
0x7b: {  	_ =	shalt  }
0x7c: {  	_ =	shalt  }
0x7d: {  	_ =	shalt  }
0x7e: {  	_ =	shalt  }
0x7f: {  	_ =	shalt  }
0x80: {  	_ =	shalt  }
0x81: {  	_ =	shalt  }
0x82: {  	_ =	shalt  }
0x83: {  	_ =	shalt  }
0x84: {  	_ =	shalt  }
0x85: {  	_ =	shalt  }
0x86: {  	_ =	shalt  }
0x87: {  	_ =	shalt  }
.Lfunc_end0:
.L_simem_size_0:
called_computation_lowered:
.L_overlay_start_0:
0x88: {  	s2 =	sld [smem:$0x3FD9]  }
0x89: {  	s3 =	sld [smem:$0x3FFE];
	_ =	sdelay $0x1  }
0x8a: {  	s1 =	srdreg.scid  }
0x8b: {  	s0 =	sand.u32 $0x1, s1  }
0x8c: {  	s18 =	sshll.u32 s0, $0xA;
	s2 =	sadd.s32 s3, s2  }
0x8d: {  	s2 =	sadd.s32 s2, s18  }
0x8e: {  	[smem:$0x3FC6] =	sst s2  }
0x8f: {  	_ = 	snop  }
0x90: {  	s2 =	sld [smem:$0x3FC9]  }
0x91: {  	s19 =	sld [smem:$0x3FC8]  }
0x92: {  	s4 =	sld [smem:$0x3FD0];
	(tm) =	ssettm $0x1  }
0x93: {  	s5 =	sld [smem:$0x3FFB];
	_ =	sdelay $0x3  }
0x94: {  	_ =	strace s5  }
0x95: {  	s5 =	sld [smem:$0x3FFC];
	_ =	sdelay $0x3  }
0x96: {  	_ =	strace s5  }
0x97: {  	s5 =	sld [smem:$0x3FFD];
	_ =	sdelay $0x3  }
0x98: {  	_ =	strace s5  }
0x99: {  	_ =	strace $0x8FFFFFFF  }
0x9a: {  	s20 =	sld [smem:$0x3FDB];
	_ =	sdelay $0x1  }
0x9b: {  	s6 =	simm.s32 $_scs_section_size  }
0x9c: {  	s7 =	simm.s32 $_size__tile_overlayer_lowered;
	s8 =	simm.s32 $_tile_overlayer_lowered  }
0x9d: {  	s23 =	simm.s32 $0x1BFF;
	s22 =	sshll.u32 s8, $0x1;
	s5 =	sadd.s32 s6, s20  }
0x9e: {  	s9 =	simm.s32 $0x0;
	s21 =	sshll.u32 s7, $0x1;
	s7 =	sadd.s32 s22, s5  }
0x9f: {  	[timem:s9], [sflag:s23] =	dma.local [hbm:s7], s21  }
0xa0: {  	_ =	swait.ge [sflag:s23], s21  }
0xa1: {  	s6 =	ssub.s32 $0x0, s21;
	[sflag:s23] =	ssyncset.done $0x0  }
0xa2: {  	[sflag:s23] =	ssyncadd.s32 s6;
	_ =	sdelay $0x1  }
0xa3: {  	s24 =	simm.s32 $0x1B8B  }
0xa4: {  	_ =	swait.ge [sflag:s24], $0x1  }
0xa5: {  	[sflag:s24] =	ssyncset.done $0x0  }
0xa6: {  	s25 =	simm.s32 $0x1B8E;
	[sflag:s24] =	ssyncadd.s32 $0xFFFFFFFF  }
0xa7: {  	s26 =	simm.s32 $execute0_lowered;
	[smem:$0x3FD2] =	sst s25  }
0xa8: {  	s6 =	sshll.u32 s26, $0x1;
	_ =	strace $0x80000046;
	[dreg:$0x1] =	wrdreg $0xFFFFFFFF  }
0xa9: {  	s28 =	simm.s32 $_size_execute0_lowered;
	s5 =	sadd.s32 s5, s6;
	[dreg:$0x0] =	wrdreg $0x0  }
0xaa: {  	s6 =	sshll.u32 s28, $0x1;
	[dreg:$0x2] =	wrdreg s5  }
0xab: {  	[dreg:$0x3] =	wrdreg s6  }
0xac: {  	[dreg:$0x4] =	wrdreg $0xC0  }
0xad: {  	_ =	task [dreg:s9], $0x5FFFF  }
0xae: {  	[dreg:$0x1] =	wrdreg $0xFFFFFFFF  }
0xaf: {  	[dreg:$0x0] =	wrdreg $0x60  }
0xb0: {  	[dreg:$0x2] =	wrdreg s2  }
0xb1: {  	[dreg:$0x3] =	wrdreg s19  }
0xb2: {  	[dreg:$0x4] =	wrdreg s4  }
0xb3: {  	[dreg:$0x5] =	wrdreg $0x1A3080  }
0xb4: {  	[dreg:$0x6] =	wrdreg $0x163000  }
0xb5: {  	[dreg:$0x7] =	wrdreg $0x9  }
0xb6: {  	_ =	task.clear_ibuf [dreg:s9], $0x8FFFF;
	_ =	strace $0x90000046  }
0xb7: {  	s29 =	simm.s32 $0x9;
	_ =	strace $0x80000048  }
0xb8: {  	_ =	swait.ge [sflag:s29], $0x1  }
0xb9: {  	[sflag:s29] =	ssyncadd.s32 $0xFFFFFFFF  }
0xba: {  	_ =	strace $0x90000048  }
0xbb: {  	_ =	sfence  }
0xbc: {  	s30 =	sld [smem:$0x0];
	_ =	sdelay $0x2  }
0xbd: {  	s31 =	sshll.u32 s1, $0xD;
	s1 =	sshrl.u32 s1, $0x2  }
0xbe: {  	s3 =	sand.u32 $0x4000, s31;
	s1 =	sadd.s32 s1, s30  }
0xbf: {  	s0 =	sor.u32 s3, s0;
	s1 =	sshll.u32 s1, $0x11  }
0xc0: {  	s0 =	sor.u32 s1, s0  }
0xc1: {  	s0 =	sadd.s32 $0x8F2B, s0  }
0xc2: {  	[sflag:s0] =	ssyncadd.remote.s32 $0x1  }
0xc3: {  	_ =	sfence.sel $0xFFFF  }
0xc4: {  	[dreg:$0x0] =	wrdreg $0xFFFFFFFF;
	(pc) =	sbr.abs _section_cstart, $3  }
0xc5: {  	[dreg:$0x1] =	wrdreg $0xFFFFFFFF  }
0xc6: {  	_ =	task.clear_ibuf [dreg:s9], $0x2FFFF;
	_ =	strace $0x9FFFFFFF  }
0xc7: {  	(tm) =	ssettm $0x7FFFFFFF  }
tec
execute0_lowered:
.L_overlay_start_1:
0x0: {  	(tag) =	ssettag $0x1  }
0x1: {  	s3 =	rddreg [dreg:$0x2]  }
0x2: {  	s5 =	rddreg [dreg:$0x3]  }
0x3: {  	s6 =	rddreg [dreg:$0x4]  }
0x4: {  	s0 =	srdreg.scid;
	s4 =	stileid.u32  }
0x5: {  	s7 =	simm.s32 $0x0;
	s15 =	simm.s32 $0x2000;
	s16 =	simm.s32 $0x4180  }
0x6: {  	s17 =	simm.s32 $0x1;
	s18 =	simm.s32 $0x20000;
	s19 =	simm.s32 $0x6300  }
0x7: {  	s20 =	simm.s32 $0x2;
	s0 =	sand.u32 $0x1, s0;
	s1 =	sshll.u32 s4, $0x6  }
0x8: {  	[smem:$0x7FF] =	sst s7;
	s2 =	sshll.u32 s0, $0x5;
	s0 =	ssub.s32 $0x2, s0  }
0x9: {  	p0 =	seq.s32 s4, $0x1;
	s8 =	sor.u32 s2, s1;
	s29 =	sshrl.u32 s0, $0x1  }
0xa: {  	_ =	strace $0x80000047;
	s9 =	sshll.u32 s8, $0x9;
	s0 =	ssub.s32 s0, s29  }
0xb: {  	p1 =	sne.s32 @!p0 s4, $0x0;
	s30 =	sshrl.u32 s9, $0x2;
	s0 =	smax.u32 s0, $0x1  }
0xc: {  	s31 =	sadd.s32 s30, s6;
	[dreg:$0x7] =	wrdreg s0;
	s0 =	sshrl.u32 @p0 s5, $0x3  }
0xd: {  	p1 =	por p1, p0;
	s1 =	sadd.s32 $0x1E080, s31;
	[dreg:$0x8] =	wrdreg s0  }
0xe: {  	s21 =	simm.s32 $0xE300;
	s0 =	sshrl.u32 @!p1 s6, $0x3;
	[dreg:$0x6] =	wrdreg s1  }
0xf: {  	s23 =	simm.s32 $0x4;
	s11 =	sor.u32 $0x4, s8;
	[dreg:$0x9] =	wrdreg s0  }
.LBB2_1:
0x10: {  	s1 =	rddreg [dreg:$0x0]  }
0x11: {  	s0 =	simm.s32 @p0 $0x1C45;
	s2 =	rddreg [dreg:$0x8]  }
0x12: {  	[spmem:s2], [sflag:s0] =	dma.local @p0 [hbm:s1], $0x4000  }
0x13: {  	s0 =	simm.s32 @p0 $0x5  }
0x14: {  	_ =	swait.ge @p0 [sflag:s0], $0x4000  }
0x15: {  	[sflag:s0] =	ssyncset.done @p0 $0x0  }
0x16: {  	s2 =	rddreg [dreg:$0x9];
	[sflag:s0] =	ssyncadd.s32 @p0 $0xFFFFC000  }
0x17: {  	s0 =	simm.s32 @!p1 $0x1C05;
	s1 =	rddreg [dreg:$0x1]  }
0x18: {  	[spmem:s2], [sflag:s0] =	dma.local @!p1 [hbm:s1], $0x8010  }
0x19: {  	s0 =	simm.s32 @!p1 $0x5  }
0x1a: {  	_ =	swait.ge @!p1 [sflag:s0], $0x8010  }
0x1b: {  	[sflag:s0] =	ssyncset.done @!p1 $0x0  }
0x1c: {  	[sflag:s0] =	ssyncadd.s32 @!p1 $0xFFFF7FF0  }
0x1d: {  	[bflag:$0x0] =	sbarrier.arrive $0xFFFF  }
0x1e: {  	s24 =	simm.s32 $0x0;
	s31 =	rddreg [dreg:$0x6]  }
0x1f: {  	[tilespmem:s15], [sflag:$0x1] =	stream.linear.gather [spmem:s31], $0x2180, $0x38;
	[tilespmem:$0x1C308] =	vst v63  }
.LBB2_2:
0x20: {  	s0 =	sand.u32 $0x3, s24  }
0x21: {  	s1 =	sshrl.u32 s24, $0x2;
	p2 =	sne.s32 s0, $0x0  }
0x22: {  	s4 =	sshll.u32 s24, $0x3;
	s0 =	sshll.u32 @!p2 s1, $0xD  }
0x23: {  	s2 =	sshll.u32 s1, $0x5;
	s14 =	sadd.s32 s4, s11;
	s0 =	sand.u32 @!p2 $0x3FFFE000, s0  }
0x24: {  	s10 =	simm.s32 @!p2 $0x0;
	s26 =	ssub.s32 $0x0, s2;
	s0 =	sadd.s32 @!p2 s0, s5  }
0x25: {  	[tilespmem:s10], [sflag:$0x5] =	stream.linear.gather @!p2 [spmem:s0], $0x2000, $0x38;
	[tilespmem:$0x1C308] =	vst v63  }
0x26: {  	s0 =	sadd.s32 s26, s14  }
0x27: {  	s25 =	sshll.u32 s1, $0xD;
	s10 =	simm.s32 @!p2 $0x5;
	s0 =	sshll.u32 s0, $0x7  }
0x28: {  	_ =	swait.ge @!p2 [sflag:s10], $0x2000;
	s0 =	ssub.s32 s0, s25  }
0x29: {  	[sflag:s10] =	ssyncset.done @!p2 $0x0;
	s0 =	sadd.s32 s0, s6  }
0x2a: {  	[sflag:s10] =	ssyncadd.s32 @!p2 $0xFFFFE000;
	s0 =	sadd.s32 $0x1E080, s0  }
0x2b: {  	[tilespmem:s16], [sflag:$0x2] =	stream.linear.gather [spmem:s0], $0x2180, $0x38;
	[tilespmem:$0x1C308] =	vst v63  }
0x2c: {  	_ =	swait.ge [sflag:s17], $0x2180  }
0x2d: {  	p2 =	seq.s32 s24, $0x0;
	[sflag:s17] =	ssyncset.done $0x0  }
0x2e: {  	s0 =	simm.s32 @!p2 $0x3;
	[sflag:s17] =	ssyncadd.s32 $0xFFFFDE80  }
0x2f: {  	_ =	swait.ge @!p2 [sflag:s0], $0x8000  }
0x30: {  	[sflag:s0] =	ssyncset.done @!p2 $0x0  }
0x31: {  	[sflag:s0] =	ssyncadd.s32 @!p2 $0xFFFF8000  }
0x32: {  	v0 =	vld [tilespmem:$0x4000]  }
0x33: {  	v1 =	vld [tilespmem:$0x4010]  }
0x34: {  	v2 =	vld [tilespmem:$0x4020]  }
0x35: {  	v3 =	vld [tilespmem:$0x4030]  }
0x36: {  	v4 =	vld [tilespmem:$0x4040]  }
0x37: {  	v5 =	vld [tilespmem:$0x4050]  }
0x38: {  	v6 =	vld [tilespmem:$0x4060]  }
0x39: {  	v8 =	vld [tilespmem:$0x4070]  }
0x3a: {  	v7 =	vld [tilespmem:$0x4080]  }
0x3b: {  	v9 =	vld [tilespmem:$0x4090]  }
0x3c: {  	v10 =	vld [tilespmem:$0x40A0]  }
0x3d: {  	v11 =	vld [tilespmem:$0x40B0]  }
0x3e: {  	v12 =	vld [tilespmem:$0x40C0]  }
0x3f: {  	v13 =	vld [tilespmem:$0x40D0]  }
0x40: {  	v14 =	vld [tilespmem:$0x40E0]  }
0x41: {  	v15 =	vld [tilespmem:$0x40F0]  }
0x42: {  	v23 =	vld [tilespmem:$0x4100]  }
0x43: {  	v22 =	vld [tilespmem:$0x4110]  }
0x44: {  	v21 =	vld [tilespmem:$0x4120]  }
0x45: {  	s29 =	sshll.u32 s24, $0x1;
	v20 =	vld [tilespmem:$0x4130]  }
0x46: {  	s12 =	simm.s32 $0x3FC0;
	s13 =	simm.s32 $0x3FD0;
	s31 =	simm.s32 $0x3FE0;
	v19 =	vld [tilespmem:$0x4140]  }
0x47: {  	s28 =	simm.s32 $0x0;
	s22 =	sadd.s32 s8, s4;
	s4 =	simm.s32 $0x3FA0;
	v18 =	vld [tilespmem:$0x4150]  }
0x48: {  	s30 =	ssub.s32 s22, s2;
	s2 =	simm.s32 $0x3F80;
	s1 =	simm.s32 $0x3F90;
	v17 =	vld [tilespmem:$0x4160]  }
0x49: {  	s14 =	simm.s32 $0x3FF0;
	s10 =	simm.s32 $0x3FB0;
	s0 =	simm.s32 $0x3E;
	v16 =	vld [tilespmem:$0x4170]  }
.LBB2_3:
0x4a: {  	v25 =	vld [tilespmem:s31+$0x0]  }
0x4b: {  	v26 =	vld [tilespmem:s2+$0x0];
	s31 =	sshra.s32 s28, $0x2  }
0x4c: {  	v27 =	vld [tilespmem:s31+$0x0]  }
0x4d: {  	v24 =	vld [tilespmem:s14+$0x0]  }
0x4e: {  	v28 =	vld [tilespmem:s13+$0x0]  }
0x4f: {  	v30 =	vld [tilespmem:s1+$0x0]  }
0x50: {  	v31 =	vld [tilespmem:s31+$0x10]  }
0x51: {  	v29 =	vld [tilespmem:s12+$0x0];
	v33 =	vadd.f32 v27, v26  }
0x52: {  	v32 =	vld [tilespmem:s10+$0x0];
	v35 =	vadd.f32 v27, v0  }
0x53: {  	v34 =	vld [tilespmem:s4+$0x0];
	v54 =	vadd.f32 v27, v7;
	[tilespmem:s31+$0x6300] =	vst v33  }
0x54: {  	v55 =	vld [tilespmem:s31+$0x20];
	v23 =	vadd.f32 v27, v23;
	[tilespmem:s31+$0x8300] =	vst v35  }
0x55: {  	v56 =	vadd.f32 v31, v30;
	[tilespmem:s31+$0xA300] =	vst v54  }
0x56: {  	[tilespmem:s31+$0xC300] =	vst v23;
	v23 =	vadd.f32 v31, v1  }
0x57: {  	v57 =	vadd.f32 v31, v9;
	[tilespmem:s31+$0x6310] =	vst v56  }
0x58: {  	v22 =	vadd.f32 v31, v22;
	[tilespmem:s31+$0x8310] =	vst v23;
	v23 =	vld [tilespmem:s31+$0x30]  }
0x59: {  	v58 =	vadd.f32 v55, v34;
	[tilespmem:s31+$0xA310] =	vst v57  }
0x5a: {  	[tilespmem:s31+$0xC310] =	vst v22;
	v22 =	vadd.f32 v55, v2  }
0x5b: {  	v59 =	vadd.f32 v55, v10;
	[tilespmem:s31+$0x6320] =	vst v58  }
0x5c: {  	v21 =	vadd.f32 v55, v21;
	[tilespmem:s31+$0x8320] =	vst v22;
	v22 =	vld [tilespmem:s31+$0x40]  }
0x5d: {  	[tilespmem:s31+$0xA320] =	vst v59;
	v60 =	vadd.f32 v23, v32  }
0x5e: {  	[tilespmem:s31+$0xC320] =	vst v21;
	v21 =	vadd.f32 v23, v3  }
0x5f: {  	v61 =	vadd.f32 v23, v11;
	[tilespmem:s31+$0x6330] =	vst v60  }
0x60: {  	v20 =	vadd.f32 v23, v20;
	[tilespmem:s31+$0x8330] =	vst v21;
	v21 =	vld [tilespmem:s31+$0x50]  }
0x61: {  	v23 =	vadd.f32 v22, v29;
	[tilespmem:s31+$0xA330] =	vst v61  }
0x62: {  	[tilespmem:s31+$0xC330] =	vst v20;
	v20 =	vadd.f32 v22, v4  }
0x63: {  	v19 =	vadd.f32 v22, v19;
	[tilespmem:s31+$0x6340] =	vst v23  }
0x64: {  	v23 =	vadd.f32 v22, v12;
	[tilespmem:s31+$0x8340] =	vst v20;
	v20 =	vld [tilespmem:s31+$0x60]  }
0x65: {  	[tilespmem:s31+$0xC340] =	vst v19;
	v22 =	vadd.f32 v21, v28  }
0x66: {  	[tilespmem:s31+$0xA340] =	vst v23;
	v19 =	vadd.f32 v21, v5  }
0x67: {  	v18 =	vadd.f32 v21, v18;
	[tilespmem:s31+$0x6350] =	vst v22  }
0x68: {  	v22 =	vadd.f32 v21, v13;
	[tilespmem:s31+$0x8350] =	vst v19;
	v19 =	vld [tilespmem:s31+$0x70]  }
0x69: {  	v21 =	vadd.f32 v20, v25;
	[tilespmem:s31+$0xC350] =	vst v18  }
0x6a: {  	v18 =	vadd.f32 v20, v6;
	[tilespmem:s31+$0xA350] =	vst v22  }
0x6b: {  	v17 =	vadd.f32 v20, v17;
	[tilespmem:s31+$0x6360] =	vst v21  }
0x6c: {  	p3 =	sgt.s32 s0, $0x0;
	v21 =	vadd.f32 v20, v14;
	[tilespmem:s31+$0x8360] =	vst v18  }
0x6d: {  	s22 =	sadd.s32 $0xFFFFFFFF, s0;
	s0 =	simm.s32 @!p3 $0x0;
	p3 =	sne.s32 s28, $0x7E00;
	v23 =	vmovc v7;
	v7 =	vmov v0;
	[tilespmem:s31+$0xC360] =	vst v17;
	v18 =	vadd.f32 v19, v24;
	v17 =	vadd.f32 v19, v8  }
.Ltmp0:
0x6e: {  	s0 =	sshll.u32 s0, $0x7;
	v0 =	vmovc v26;
	v20 =	vmovc v11;
	v11 =	vmov v3;
	v3 =	vmov v32;
	[tilespmem:s31+$0xA360] =	vst v21;
	v22 =	vmov v9;
	(pc) =	sbr.rel @p3 .LBB2_3-.Ltmp0, $4  }
0x6f: {  	s28 =	sadd.s32 $0x200, s28;
	s0 =	sand.u32 $0x3FFFFF80, s0;
	v9 =	vmovc v1;
	v1 =	vmov v30;
	v62 =	vadd.f32 v19, v15;
	v63 =	vadd.f32 v19, v16;
	[tilespmem:s31+$0x6370] =	vst v18  }
0x70: {  	s2 =	sadd.s32 $0x2000, s0;
	s1 =	sadd.s32 $0x2010, s0;
	s4 =	sadd.s32 $0x2020, s0;
	v16 =	vmovc v15;
	v19 =	vmovc v12;
	v15 =	vmov v8;
	v12 =	vmov v4;
	v8 =	vmov v24;
	[tilespmem:s31+$0x8370] =	vst v17  }
0x71: {  	s10 =	sadd.s32 $0x2030, s0;
	s12 =	sadd.s32 $0x2040, s0;
	s13 =	sadd.s32 $0x2050, s0;
	v4 =	vmovc v29;
	v21 =	vmovc v10;
	v10 =	vmov v2;
	v2 =	vmov v34;
	[tilespmem:s31+$0xA370] =	vst v62;
	v17 =	vmov v14  }
0x72: {  	s14 =	sadd.s32 $0x2070, s0;
	[tilespmem:s31+$0xC370] =	vst v63;
	s31 =	sadd.s32 $0x2060, s0;
	s0 =	smov.u32 s22;
	v18 =	vmovc v13;
	v14 =	vmovc v6;
	v13 =	vmov v5;
	v6 =	vmov v25;
	v5 =	vmov v28  }
0x73: {  	s28 =	sor.u32 $0x1, s29  }
0x74: {  	s0 =	sshll.u32 s30, $0x11;
	p3 =	sgt.u32 s28, $0x7E  }
0x75: {  	s0 =	sadd.s32 s25, s0;
	s1 =	sadd.s32 @!p3 $0x2, s29  }
0x76: {  	s0 =	sshrl.u32 s0, $0x3;
	s2 =	sshrl.u32 @!p3 s1, $0x3  }
0x77: {  	s0 =	sadd.s32 s3, s0;
	s2 =	smul.u32 @!p3 $0xFFFF4000, s2  }
0x78: {  	[hbm4b:s0+s15] =	stream.strided.scatter [tilespmem:s19], [sflag:$0x3], $0x8000, s18, s15, $0x38;
	[tilespmem:$0x1C308] =	vst v63  }
0x79: {  	s1 =	sshll.u32 @!p3 s1, $0x9;
	s0 =	sshra.s32 @!p3 s2, $0x2  }
0x7a: {  	s1 =	sand.u32 @!p3 $0x3FFFFE00, s1;
	s0 =	sadd.s32 @!p3 s0, s6  }
0x7b: {  	s0 =	sadd.s32 @!p3 s1, s0;
	s1 =	sshrl.u32 @!p3 s9, $0x2  }
0x7c: {  	s0 =	sadd.s32 @!p3 s1, s0  }
0x7d: {  	s1 =	simm.s32 @!p3 $0x2000;
	s0 =	sadd.s32 @!p3 $0x1E080, s0  }
0x7e: {  	[tilespmem:s1], [sflag:$0x1] =	stream.linear.gather @!p3 [spmem:s0], $0x2180, $0x38;
	[tilespmem:$0x1C308] =	vst v63  }
0x7f: {  	_ =	swait.ge [sflag:s20], $0x2180  }
0x80: {  	[sflag:s20] =	ssyncset.done $0x0  }
0x81: {  	s0 =	simm.s32 @!p2 $0x4;
	[sflag:s20] =	ssyncadd.s32 $0xFFFFDE80  }
0x82: {  	_ =	swait.ge @!p2 [sflag:s0], $0x8000  }
0x83: {  	[sflag:s0] =	ssyncset.done @!p2 $0x0  }
0x84: {  	[sflag:s0] =	ssyncadd.s32 @!p2 $0xFFFF8000  }
0x85: {  	v0 =	vld [tilespmem:$0x6180]  }
0x86: {  	v1 =	vld [tilespmem:$0x6190]  }
0x87: {  	v2 =	vld [tilespmem:$0x61A0]  }
0x88: {  	v3 =	vld [tilespmem:$0x61B0]  }
0x89: {  	v4 =	vld [tilespmem:$0x61C0]  }
0x8a: {  	v5 =	vld [tilespmem:$0x61D0]  }
0x8b: {  	v6 =	vld [tilespmem:$0x61E0]  }
0x8c: {  	v8 =	vld [tilespmem:$0x61F0]  }
0x8d: {  	v7 =	vld [tilespmem:$0x6200]  }
0x8e: {  	v9 =	vld [tilespmem:$0x6210]  }
0x8f: {  	v10 =	vld [tilespmem:$0x6220]  }
0x90: {  	v11 =	vld [tilespmem:$0x6230]  }
0x91: {  	v12 =	vld [tilespmem:$0x6240]  }
0x92: {  	v13 =	vld [tilespmem:$0x6250]  }
0x93: {  	v14 =	vld [tilespmem:$0x6260]  }
0x94: {  	v15 =	vld [tilespmem:$0x6270]  }
0x95: {  	v23 =	vld [tilespmem:$0x6280]  }
0x96: {  	v22 =	vld [tilespmem:$0x6290]  }
0x97: {  	v21 =	vld [tilespmem:$0x62A0]  }
0x98: {  	v20 =	vld [tilespmem:$0x62B0]  }
0x99: {  	s26 =	sadd.s32 s8, s26;
	s4 =	simm.s32 $0x6120;
	v19 =	vld [tilespmem:$0x62C0]  }
0x9a: {  	s10 =	simm.s32 $0x6130;
	s12 =	simm.s32 $0x6140;
	s13 =	simm.s32 $0x6150;
	v18 =	vld [tilespmem:$0x62D0]  }
0x9b: {  	s30 =	simm.s32 $0x6160;
	s14 =	simm.s32 $0x6170;
	s29 =	simm.s32 $0x0;
	v17 =	vld [tilespmem:$0x62E0]  }
0x9c: {  	s2 =	simm.s32 $0x6100;
	s1 =	simm.s32 $0x6110;
	s0 =	simm.s32 $0x3E;
	v16 =	vld [tilespmem:$0x62F0]  }
.LBB2_5:
0x9d: {  	v25 =	vld [tilespmem:s30+$0x0]  }
0x9e: {  	v26 =	vld [tilespmem:s2+$0x0];
	s30 =	sshra.s32 s29, $0x2  }
0x9f: {  	v27 =	vld [tilespmem:s30+$0x0]  }
0xa0: {  	v24 =	vld [tilespmem:s14+$0x0]  }
0xa1: {  	v28 =	vld [tilespmem:s13+$0x0]  }
0xa2: {  	v30 =	vld [tilespmem:s1+$0x0]  }
0xa3: {  	v31 =	vld [tilespmem:s30+$0x10]  }
0xa4: {  	v29 =	vld [tilespmem:s12+$0x0];
	v33 =	vadd.f32 v27, v26  }
0xa5: {  	v32 =	vld [tilespmem:s10+$0x0];
	v35 =	vadd.f32 v27, v0  }
0xa6: {  	v34 =	vld [tilespmem:s4+$0x0];
	v54 =	vadd.f32 v27, v7;
	[tilespmem:s30+$0xE300] =	vst v33  }
0xa7: {  	v55 =	vld [tilespmem:s30+$0x20];
	v23 =	vadd.f32 v27, v23;
	[tilespmem:s30+$0x10300] =	vst v35  }
0xa8: {  	v56 =	vadd.f32 v31, v30;
	[tilespmem:s30+$0x12300] =	vst v54  }
0xa9: {  	[tilespmem:s30+$0x14300] =	vst v23;
	v23 =	vadd.f32 v31, v1  }
0xaa: {  	v57 =	vadd.f32 v31, v9;
	[tilespmem:s30+$0xE310] =	vst v56  }
0xab: {  	v22 =	vadd.f32 v31, v22;
	[tilespmem:s30+$0x10310] =	vst v23;
	v23 =	vld [tilespmem:s30+$0x30]  }
0xac: {  	v58 =	vadd.f32 v55, v34;
	[tilespmem:s30+$0x12310] =	vst v57  }
0xad: {  	[tilespmem:s30+$0x14310] =	vst v22;
	v22 =	vadd.f32 v55, v2  }
0xae: {  	v59 =	vadd.f32 v55, v10;
	[tilespmem:s30+$0xE320] =	vst v58  }
0xaf: {  	v21 =	vadd.f32 v55, v21;
	[tilespmem:s30+$0x10320] =	vst v22;
	v22 =	vld [tilespmem:s30+$0x40]  }
0xb0: {  	[tilespmem:s30+$0x12320] =	vst v59;
	v60 =	vadd.f32 v23, v32  }
0xb1: {  	[tilespmem:s30+$0x14320] =	vst v21;
	v21 =	vadd.f32 v23, v3  }
0xb2: {  	v61 =	vadd.f32 v23, v11;
	[tilespmem:s30+$0xE330] =	vst v60  }
0xb3: {  	v20 =	vadd.f32 v23, v20;
	[tilespmem:s30+$0x10330] =	vst v21;
	v21 =	vld [tilespmem:s30+$0x50]  }
0xb4: {  	v23 =	vadd.f32 v22, v29;
	[tilespmem:s30+$0x12330] =	vst v61  }
0xb5: {  	[tilespmem:s30+$0x14330] =	vst v20;
	v20 =	vadd.f32 v22, v4  }
0xb6: {  	v19 =	vadd.f32 v22, v19;
	[tilespmem:s30+$0xE340] =	vst v23  }
0xb7: {  	v23 =	vadd.f32 v22, v12;
	[tilespmem:s30+$0x10340] =	vst v20;
	v20 =	vld [tilespmem:s30+$0x60]  }
0xb8: {  	[tilespmem:s30+$0x14340] =	vst v19;
	v22 =	vadd.f32 v21, v28  }
0xb9: {  	[tilespmem:s30+$0x12340] =	vst v23;
	v19 =	vadd.f32 v21, v5  }
0xba: {  	v18 =	vadd.f32 v21, v18;
	[tilespmem:s30+$0xE350] =	vst v22  }
0xbb: {  	v22 =	vadd.f32 v21, v13;
	[tilespmem:s30+$0x10350] =	vst v19;
	v19 =	vld [tilespmem:s30+$0x70]  }
0xbc: {  	v21 =	vadd.f32 v20, v25;
	[tilespmem:s30+$0x14350] =	vst v18  }
0xbd: {  	v18 =	vadd.f32 v20, v6;
	[tilespmem:s30+$0x12350] =	vst v22  }
0xbe: {  	v17 =	vadd.f32 v20, v17;
	[tilespmem:s30+$0xE360] =	vst v21  }
0xbf: {  	p2 =	sgt.s32 s0, $0x0;
	v21 =	vadd.f32 v20, v14;
	[tilespmem:s30+$0x10360] =	vst v18  }
0xc0: {  	s22 =	sadd.s32 $0xFFFFFFFF, s0;
	s0 =	simm.s32 @!p2 $0x0;
	p2 =	sne.s32 s29, $0x7E00;
	v23 =	vmovc v7;
	v7 =	vmov v0;
	[tilespmem:s30+$0x14360] =	vst v17;
	v18 =	vadd.f32 v19, v24;
	v17 =	vadd.f32 v19, v8  }
.Ltmp1:
0xc1: {  	s0 =	sshll.u32 s0, $0x7;
	v0 =	vmovc v26;
	v20 =	vmovc v11;
	v11 =	vmov v3;
	v3 =	vmov v32;
	[tilespmem:s30+$0x12360] =	vst v21;
	v22 =	vmov v9;
	(pc) =	sbr.rel @p2 .LBB2_5-.Ltmp1, $4  }
0xc2: {  	s29 =	sadd.s32 $0x200, s29;
	s0 =	sand.u32 $0x3FFFFF80, s0;
	v9 =	vmovc v1;
	v1 =	vmov v30;
	v62 =	vadd.f32 v19, v15;
	v63 =	vadd.f32 v19, v16;
	[tilespmem:s30+$0xE370] =	vst v18  }
0xc3: {  	s2 =	sadd.s32 $0x4180, s0;
	s1 =	sadd.s32 $0x4190, s0;
	s4 =	sadd.s32 $0x41A0, s0;
	v16 =	vmovc v15;
	v19 =	vmovc v12;
	v15 =	vmov v8;
	v12 =	vmov v4;
	v8 =	vmov v24;
	[tilespmem:s30+$0x10370] =	vst v17  }
0xc4: {  	s10 =	sadd.s32 $0x41B0, s0;
	s12 =	sadd.s32 $0x41C0, s0;
	s13 =	sadd.s32 $0x41D0, s0;
	v4 =	vmovc v29;
	v21 =	vmovc v10;
	v10 =	vmov v2;
	v2 =	vmov v34;
	[tilespmem:s30+$0x12370] =	vst v62;
	v17 =	vmov v14  }
0xc5: {  	s14 =	sadd.s32 $0x41F0, s0;
	[tilespmem:s30+$0x14370] =	vst v63;
	s30 =	sadd.s32 $0x41E0, s0;
	s0 =	smov.u32 s22;
	v18 =	vmovc v13;
	v14 =	vmovc v6;
	v13 =	vmov v5;
	v6 =	vmov v25;
	v5 =	vmov v28  }
0xc6: {  	s24 =	sadd.s32 $0x1, s24  }
0xc7: {  	s0 =	sshll.u32 s28, $0x13;
	s1 =	sshll.u32 s26, $0x11;
	p2 =	sne.s32 s24, $0x40  }
.Ltmp2:
0xc8: {  	s0 =	sadd.s32 s1, s0;
	(pc) =	sbr.rel @p2 .LBB2_2-.Ltmp2, $4  }
0xc9: {  	s0 =	sadd.s32 s25, s0  }
0xca: {  	s0 =	sshrl.u32 s0, $0x3  }
0xcb: {  	s0 =	sadd.s32 s3, s0  }
0xcc: {  	[hbm4b:s0+s15] =	stream.strided.scatter [tilespmem:s21], [sflag:$0x4], $0x8000, s18, s15, $0x38;
	[tilespmem:$0x1C308] =	vst v63  }
0xcd: {  	s0 =	simm.s32 $0x3  }
0xce: {  	_ =	swait.ge [sflag:s0], $0x8000  }
0xcf: {  	[sflag:s0] =	ssyncset.done $0x0  }
0xd0: {  	[sflag:s0] =	ssyncadd.s32 $0xFFFF8000  }
0xd1: {  	_ =	swait.ge [sflag:s23], $0x8000  }
0xd2: {  	s7 =	sadd.s32 $0x1, s7;
	s31 =	rddreg [dreg:$0x7]  }
0xd3: {  	p2 =	sne.s32 s7, s31  }
.Ltmp3:
0xd4: {  	_ = 	snop;
	(pc) =	sbr.rel @p2 .LBB2_1-.Ltmp3, $3  }
0xd5: {  	_ =	sdelay $0x1  }
0xd6: {  	[sflag:s23] =	ssyncset.done $0x0  }
0xd7: {  	[sflag:s23] =	ssyncadd.s32 $0xFFFF8000  }
0xd8: {  	_ =	sfence.sel $0x180000  }
0xd9: {  	[bflag:$0x0] =	sbarrier.arrive $0xFFFF  }
0xda: {  	_ =	strace $0x90000047  }
0xdb: {  	s0 =	stileid.u32;
	[bflag:$0x2] =	sbarrier.arrive $0xFFFF  }
0xdc: {  	p0 =	sne.s32 s0, $0x0;
	s0 =	rddreg [dreg:$0x5]  }
0xdd: {  	s0 =	sadd.s32 @!p0 $0x100000, s0  }
0xde: {  	[sflag:s0] =	ssyncadd.tile.s32 @!p0 $0x1;
	_ =	shalt  }
.Lfunc_end2:
_tile_overlayer_lowered:
.L_overlay_start_2:
0xdf: {  	(tag) =	ssettag $0x2  }
0xe0: {  	s0 =	rddreg [dreg:$0x0];
	s2 =	stileid.u32  }
0xe1: {  	s1 =	rddreg [dreg:$0x1];
	p0 =	sne.s32 s2, $0x0  }
0xe2: {  	s3 =	rddreg [dreg:$0x2];
	[bflag:$0x3] =	sbarrier.arrive $0xFFFF;
	s2 =	simm.s32 @!p0 $0x1C05  }
0xe3: {  	[timem:s3], [sflag:s2] =	dma.local @!p0 [hbm:s0], s1  }
0xe4: {  	s0 =	simm.s32 @!p0 $0x5  }
0xe5: {  	_ =	swait.ge @!p0 [sflag:s0], s1  }
0xe6: {  	s1 =	ssub.s32 @!p0 $0x0, s1;
	[sflag:s0] =	ssyncset.done @!p0 $0x0  }
0xe7: {  	[sflag:s0] =	ssyncadd.s32 @!p0 s1  }
0xe8: {  	[bflag:$0x3] =	sbarrier.arrive $0xFFFF  }
0xe9: {  	_ =	shalt  }

</sc_bundles>
